<compile_context>
chip_gen: v7x
topology: tpu7x:2x2x1
jax: 0.10.2.dev20260603
libtpu: 0.0.44.dev20260713+nightly
codegen_flags: <defaults>
</compile_context>

<pallas_src>
import functools

import jax
import jax.numpy as jnp
from jax.experimental import pallas as pl
from jax.experimental.pallas import tpu as pltpu

_D = 256
_PC_RANGE = (-51.2, -51.2, -5.0, 51.2, 51.2, 3.0)
_INF_PC_RANGE = (-76.8, -76.8, -5.0, 76.8, 76.8, 3.0)

_BIG = 1e12
_ACC_THRESH = 1e10


def _denorm(pts, pr):
    x = pts[:, 0:1] * (pr[3] - pr[0]) + pr[0]
    y = pts[:, 1:2] * (pr[4] - pr[1]) + pr[1]
    z = pts[:, 2:3] * (pr[5] - pr[2]) + pr[2]
    return jnp.concatenate([x, y, z], axis=-1)



def _align_body(q_ref, wp_ref, wf_ref, wfus_ref, bp_ref, bf_ref, bfus_ref,
                aligned_ref, fused_ref):
    q = q_ref[...]
    pos = jnp.dot(q[:, :_D], wp_ref[...],
                  preferred_element_type=jnp.float32) + bp_ref[...]
    feat = jnp.dot(q[:, _D:], wf_ref[...],
                   preferred_element_type=jnp.float32) + bf_ref[...]
    aligned_ref[:, :_D] = pos
    aligned_ref[:, _D:] = feat
    fused_ref[...] = jnp.dot(feat, wfus_ref[...],
                             preferred_element_type=jnp.float32) + bfus_ref[...]



def _match_body(vr_ref, vd_ref, vs_ref, infT_ref, idx_ref, val_ref,
                *, bv, n_inf):
    i = pl.program_id(0)

    @pl.when(i == 0)
    def _():
        val_ref[...] = jnp.full((1, n_inf), _BIG, jnp.float32)
        idx_ref[...] = jnp.full((1, n_inf), -1, jnp.int32)

    infx = infT_ref[0:1, :]
    infy = infT_ref[1:2, :]
    infz = infT_ref[2:3, :]
    sx = _PC_RANGE[3] - _PC_RANGE[0]
    sy = _PC_RANGE[4] - _PC_RANGE[1]
    sz = _PC_RANGE[5] - _PC_RANGE[2]
    vr = vr_ref[...]
    vd = vd_ref[...]
    vs = vs_ref[...]
    ok = jnp.maximum(jnp.maximum(vs[:, 0:1], vs[:, 1:2]), vs[:, 2:3]) >= 0.05
    dx = (vr[:, 0:1] * sx + _PC_RANGE[0]) - infx
    dy = (vr[:, 1:2] * sy + _PC_RANGE[1]) - infy
    dz = (vr[:, 2:3] * sz + _PC_RANGE[2]) - infz
    within = ((jnp.abs(dx) <= jnp.where(ok, vd[:, 0:1], -1.0))
              & (jnp.abs(dy) <= vd[:, 1:2])
              & (jnp.abs(dz) <= vd[:, 2:3]))
    dist2 = dx * dx + dy * dy + dz * dz
    cost = jnp.where(within, dist2, _BIG)
    bmin = jnp.min(cost, axis=0, keepdims=True)
    rows = jax.lax.broadcasted_iota(jnp.int32, (bv, n_inf), 0) + i * bv
    barg = jnp.min(jnp.where(cost == bmin, rows, jnp.int32(2 ** 30)),
                   axis=0, keepdims=True)
    cur = val_ref[...]
    upd = bmin < cur
    val_ref[...] = jnp.where(upd, bmin, cur)
    idx_ref[...] = jnp.where(upd, barg, idx_ref[...])

    @pl.when(i == pl.num_programs(0) - 1)
    def _():
        idx_ref[...] = jnp.where(val_ref[...] < _ACC_THRESH, idx_ref[...], -1)



def _upd_body(bT_ref, best_ref, fused_ref, vq_ref, upd_ref, *, bj, n_veh):
    bT = bT_ref[...]
    eq = ((bT == best_ref[...]) & (bT >= 0)).astype(jnp.float32)
    comb = jnp.dot(eq, fused_ref[...], preferred_element_type=jnp.float32)
    cols = jax.lax.broadcasted_iota(jnp.int32, (bj, n_veh), 1)
    onehot = (bT == cols).astype(jnp.float32)
    upd = jnp.dot(onehot, vq_ref[...], preferred_element_type=jnp.float32)
    upd_ref[:, :_D] = upd[:, :_D]
    upd_ref[:, _D:] = upd[:, _D:] + comb



_NC = 2
_NS = 16


def _make_sc_scatter(n_veh, n_inf):
    from jax.experimental.pallas import tpu_sc as plsc
    half = n_veh // _NC
    rps = half // _NS
    ups = n_inf // _NS
    mesh = plsc.VectorSubcoreMesh(core_axis_name="c", subcore_axis_name="s")

    chn = 64
    hup = ups // 2

    @functools.partial(
        pl.kernel,
        out_type=jax.ShapeDtypeStruct((n_veh + 8, 2 * _D), jnp.float32),
        mesh=mesh,
        scratch_types=[
            pltpu.VMEM((ups,), jnp.int32),
            pltpu.VMEM((hup,), jnp.int32),
            pltpu.VMEM((hup,), jnp.int32),
            pltpu.VMEM((chn, 2 * _D), jnp.float32),
            pltpu.VMEM((chn, 2 * _D), jnp.float32),
            pltpu.SemaphoreType.DMA,
            pltpu.SemaphoreType.DMA,
            pltpu.SemaphoreType.DMA,
            pltpu.SemaphoreType.DMA,
        ],
    )
    def sc_scatter(vq_hbm, idx_hbm, upd_hbm, out_hbm,
                   idx_v, idx_a, idx_b, buf_a, buf_b, s_a, s_b, s_wa, s_wb):
        c = jax.lax.axis_index("c")
        s = jax.lax.axis_index("s")
        r0 = c * half + s * rps
        bufs = (buf_a, buf_b)
        rsem = (s_a, s_b)
        wsem = (s_wa, s_wb)
        nch = rps // chn
        reads = [None] * nch
        writes = [None] * nch
        reads[0] = pltpu.async_copy(vq_hbm.at[pl.ds(r0, chn), :], buf_a, s_a)
        for k in range(nch):
            b = k % 2
            reads[k].wait()
            writes[k] = pltpu.async_copy(
                bufs[b], out_hbm.at[pl.ds(r0 + k * chn, chn), :], wsem[b])
            if k + 1 < nch:
                nb = (k + 1) % 2
                if k - 1 >= 0:
                    writes[k - 1].wait()
                reads[k + 1] = pltpu.async_copy(
                    vq_hbm.at[pl.ds(r0 + (k + 1) * chn, chn), :],
                    bufs[nb], rsem[nb])
        writes[nch - 2].wait()
        writes[nch - 1].wait()
        j0 = s * ups
        pltpu.sync_copy(idx_hbm.at[pl.ds(j0, ups)], idx_v)
        for g in range(ups // 16):
            v16 = idx_v[pl.ds(g * 16, 16)]
            valid = (v16 >= c * half) & (v16 < (c + 1) * half)
            routed = jnp.where(valid, v16, n_veh + c)
            if g < hup // 16:
                idx_a[pl.ds(g * 16, 16)] = routed
            else:
                idx_b[pl.ds(g * 16 - hup, 16)] = routed
        pltpu.sync_copy(upd_hbm.at[pl.ds(j0, hup), :], buf_a)
        pltpu.sync_copy(upd_hbm.at[pl.ds(j0 + hup, hup), :], buf_b)
        plsc.subcore_barrier()
        wa = pltpu.async_copy(buf_a, out_hbm.at[idx_a], s_wa)
        wb = pltpu.async_copy(buf_b, out_hbm.at[idx_b], s_wb)
        wa.wait()
        wb.wait()

    return sc_scatter


def kernel(inf_query, inf_reference, veh_query, veh_reference, veh_pred_dims,
           veh_scores, veh2inf_rt, W_align, b_align, W_align_pos, b_align_pos,
           W_fusion, b_fusion):
    n_inf = inf_query.shape[0]
    n_veh = veh_query.shape[0]

    inf_pts = _denorm(inf_reference, _INF_PC_RANGE)
    calib = jnp.linalg.inv(veh2inf_rt[0].T)
    homog = jnp.concatenate([inf_pts, jnp.ones_like(inf_pts[:, :1])], axis=-1)
    inf_ptsT = (homog @ calib.T)[:, :3].T
    r9 = calib[:3, :3].reshape(1, 9)
    bp_eff = r9 @ W_align_pos[_D:] + b_align_pos[None]
    bf_eff = r9 @ W_align[_D:] + b_align[None]

    bq = 512
    aligned, fused = pl.pallas_call(
        _align_body,
        grid=(n_inf // bq,),
        in_specs=[
            pl.BlockSpec((bq, 2 * _D), lambda i: (i, 0)),
            pl.BlockSpec((_D, _D), lambda i: (0, 0)),
            pl.BlockSpec((_D, _D), lambda i: (0, 0)),
            pl.BlockSpec((_D, _D), lambda i: (0, 0)),
            pl.BlockSpec((1, _D), lambda i: (0, 0)),
            pl.BlockSpec((1, _D), lambda i: (0, 0)),
            pl.BlockSpec((1, _D), lambda i: (0, 0)),
        ],
        out_specs=[
            pl.BlockSpec((bq, 2 * _D), lambda i: (i, 0)),
            pl.BlockSpec((bq, _D), lambda i: (i, 0)),
        ],
        out_shape=[
            jax.ShapeDtypeStruct((n_inf, 2 * _D), jnp.float32),
            jax.ShapeDtypeStruct((n_inf, _D), jnp.float32),
        ],
    )(inf_query, W_align_pos[:_D], W_align[:_D], W_fusion,
      bp_eff, bf_eff, b_fusion[None])

    bv = 512
    best_idx, _best_val = pl.pallas_call(
        functools.partial(_match_body, bv=bv, n_inf=n_inf),
        grid=(n_veh // bv,),
        in_specs=[
            pl.BlockSpec((bv, 3), lambda i: (i, 0)),
            pl.BlockSpec((bv, 3), lambda i: (i, 0)),
            pl.BlockSpec((bv, 3), lambda i: (i, 0)),
            pl.BlockSpec((3, n_inf), lambda i: (0, 0)),
        ],
        out_specs=[
            pl.BlockSpec((1, n_inf), lambda i: (0, 0)),
            pl.BlockSpec((1, n_inf), lambda i: (0, 0)),
        ],
        out_shape=[
            jax.ShapeDtypeStruct((1, n_inf), jnp.int32),
            jax.ShapeDtypeStruct((1, n_inf), jnp.float32),
        ],
    )(veh_reference, veh_pred_dims, veh_scores, inf_ptsT)

    bj = 256
    bestT = best_idx.reshape(n_inf, 1)
    upd = pl.pallas_call(
        functools.partial(_upd_body, bj=bj, n_veh=n_veh),
        grid=(n_inf // bj,),
        in_specs=[
            pl.BlockSpec((bj, 1), lambda i: (i, 0)),
            pl.BlockSpec((1, n_inf), lambda i: (0, 0)),
            pl.BlockSpec((n_inf, _D), lambda i: (0, 0)),
            pl.BlockSpec((n_veh, 2 * _D), lambda i: (0, 0)),
        ],
        out_specs=pl.BlockSpec((bj, 2 * _D), lambda i: (i, 0)),
        out_shape=jax.ShapeDtypeStruct((n_inf, 2 * _D), jnp.float32),
    )(bestT, best_idx, fused, veh_query)

    sc_scatter = _make_sc_scatter(n_veh, n_inf)
    veh_out = sc_scatter(veh_query, best_idx.reshape(n_inf), upd)[:n_veh]

    return veh_out, aligned

# --- scband reference (transcript-rebuilt; emitter-appended) ---
"""Pipeline reference for scband-cross-lane-interaction-70291434766887 (READ-ONLY COPY).

The authoritative reference and input builder live on the scoring server;
editing this copy changes nothing except your own understanding.
"""

import jax, jax.numpy as jnp
import numpy as np

D = 256
N_INF = 2048
N_VEH = 8192
PC_RANGE = jnp.asarray([-51.2, -51.2, -5.0, 51.2, 51.2, 3.0], dtype=jnp.float32)
INF_PC_RANGE = jnp.asarray([-76.8, -76.8, -5.0, 76.8, 76.8, 3.0], dtype=jnp.float32)


def _denorm(pts, pr):
    x = pts[:, 0:1] * (pr[3] - pr[0]) + pr[0]
    y = pts[:, 1:2] * (pr[4] - pr[1]) + pr[1]
    z = pts[:, 2:3] * (pr[5] - pr[2]) + pr[2]
    return jnp.concatenate([x, y, z], axis=-1)


def setup_inputs(seed: int = 0) -> dict:
    key = jax.random.key(seed)
    ks = jax.random.split(key, 14)
    inf_query = jax.random.normal(ks[0], (N_INF, 2 * D), dtype=jnp.float32)
    inf_reference = jax.random.uniform(ks[1], (N_INF, 3), dtype=jnp.float32)
    veh_query = jax.random.normal(ks[2], (N_VEH, 2 * D), dtype=jnp.float32)
    veh_reference = jax.random.uniform(ks[3], (N_VEH, 3), dtype=jnp.float32)
    veh_pred_dims = jax.random.uniform(ks[4], (N_VEH, 3), dtype=jnp.float32) * 4.0 + 0.5
    veh_scores = jax.random.uniform(ks[5], (N_VEH, 3), dtype=jnp.float32)
    th = 0.1
    rt = np.eye(4, dtype=np.float32)
    rt[0, 0] = np.cos(th); rt[0, 1] = -np.sin(th)
    rt[1, 0] = np.sin(th); rt[1, 1] = np.cos(th)
    rt[0, 3] = 2.0; rt[1, 3] = 1.0; rt[2, 3] = 0.5
    veh2inf_rt = jnp.asarray(rt)[None]
    s = 0.02
    W_align = jax.random.normal(ks[6], (D + 9, D), dtype=jnp.float32) * s
    b_align = jnp.zeros((D,), dtype=jnp.float32)
    W_align_pos = jax.random.normal(ks[7], (D + 9, D), dtype=jnp.float32) * s
    b_align_pos = jnp.zeros((D,), dtype=jnp.float32)
    W_fusion = jax.random.normal(ks[8], (D, D), dtype=jnp.float32) * s
    b_fusion = jnp.zeros((D,), dtype=jnp.float32)
    return {
        'inf_query': inf_query,
        'inf_reference': inf_reference,
        'veh_query': veh_query,
        'veh_reference': veh_reference,
        'veh_pred_dims': veh_pred_dims,
        'veh_scores': veh_scores,
        'veh2inf_rt': veh2inf_rt,
        'W_align': W_align,
        'b_align': b_align,
        'W_align_pos': W_align_pos,
        'b_align_pos': b_align_pos,
        'W_fusion': W_fusion,
        'b_fusion': b_fusion,
    }


def reference(inf_query, inf_reference, veh_query, veh_reference, veh_pred_dims,
              veh_scores, veh2inf_rt, W_align, b_align, W_align_pos, b_align_pos,
              W_fusion, b_fusion):
    # denormalize reference points into metric lidar coords
    inf_pts = _denorm(inf_reference, INF_PC_RANGE)
    veh_pts = _denorm(veh_reference, PC_RANGE)
    # calibration inf -> veh (inverse of veh2inf transpose, as in original)
    calib = jnp.linalg.inv(veh2inf_rt[0].T)
    homog = jnp.concatenate([inf_pts, jnp.ones_like(inf_pts[:, :1])], axis=-1)
    inf_pts_v = (homog @ calib.T)[:, :3]
    # cross-agent alignment of inf queries (pos half and feat half) conditioned on rotation
    r9 = jnp.tile(calib[:3, :3].reshape(1, 9), (inf_query.shape[0], 1))
    q_pos = inf_query[:, :D]
    q_feat = inf_query[:, D:]
    q_pos_new = jnp.concatenate([q_pos, r9], axis=-1) @ W_align_pos + b_align_pos
    q_feat_new = jnp.concatenate([q_feat, r9], axis=-1) @ W_align + b_align
    inf_aligned = jnp.concatenate([q_pos_new, q_feat_new], axis=-1)
    # query matching: pairwise cost with distance filter (vectorized form of _query_matching)
    within = jnp.ones((veh_pts.shape[0], inf_pts_v.shape[0]), dtype=bool)
    dist2 = jnp.zeros((veh_pts.shape[0], inf_pts_v.shape[0]), dtype=jnp.float32)
    for a in range(3):
        d = veh_pts[:, a][:, None] - inf_pts_v[:, a][None, :]
        within = within & (jnp.abs(d) / veh_pred_dims[:, a][:, None] <= 1.0)
        dist2 = dist2 + d * d
    dist = jnp.sqrt(dist2 + 1e-12)
    veh_ok = (jnp.max(veh_scores, axis=-1) >= 0.05)[:, None]
    cost = jnp.where(within & veh_ok, dist, 1e6)
    # greedy assignment (jax-friendly stand-in for Hungarian): best veh row per inf col
    best_veh = jnp.argmin(cost, axis=0)
    best_cost = jnp.min(cost, axis=0)
    accept = best_cost < 1e5
    # query fusion: scatter-add fused inf features into veh query memory (feat half)
    fused = q_feat_new @ W_fusion + b_fusion
    add_vals = jnp.where(accept[:, None], fused, 0.0)
    veh_feat = veh_query[:, D:].at[best_veh].add(add_vals)
    veh_out = jnp.concatenate([veh_query[:, :D], veh_feat], axis=-1)
    return veh_out, inf_aligned

if __name__ == "__main__":
    import jax
    _d = setup_inputs()
    print(jax.jit(kernel)(*tuple(_d.values())))

</pallas_src>

<mosaic_0001>
#map = affine_map<(d0, d1) -> (0, 0)>
#map1 = affine_map<(d0, d1) -> (0)>
module attributes {stable_mosaic.version = 14 : i64} {
  func.func @sc_scatter(%arg0: i32, %arg1: i32, %arg2: memref<8192x512xf32, #tpu.memory_space<hbm>>, %arg3: memref<2048xi32, #tpu.memory_space<hbm>>, %arg4: memref<2048x512xf32, #tpu.memory_space<hbm>>, %arg5: memref<8200x512xf32, #tpu.memory_space<hbm>>, %arg6: memref<128xi32, #tpu.memory_space<vmem>>, %arg7: memref<64xi32, #tpu.memory_space<vmem>>, %arg8: memref<64xi32, #tpu.memory_space<vmem>>, %arg9: memref<64x512xf32, #tpu.memory_space<vmem>>, %arg10: memref<64x512xf32, #tpu.memory_space<vmem>>, %arg11: memref<!tpu.dma_semaphore, #tpu.memory_space<semaphore_mem>>, %arg12: memref<!tpu.dma_semaphore, #tpu.memory_space<semaphore_mem>>, %arg13: memref<!tpu.dma_semaphore, #tpu.memory_space<semaphore_mem>>, %arg14: memref<!tpu.dma_semaphore, #tpu.memory_space<semaphore_mem>>) attributes {dimension_semantics = [#tpu.dimension_semantics<core_parallel>, #tpu.dimension_semantics<subcore_parallel>], iteration_bounds = array<i64: 2, 16>, scalar_prefetch = 0 : i64, scratch_operands = 9 : i64, tpu.core_type = #tpu.core_type<sc_vector_subcore>, window_params = [{transform_indices = #map}, {transform_indices = #map1}, {transform_indices = #map}, {transform_indices = #map}]} {
    %mul3A = arith.constant 4096 : i32
    %mul3A_0 = arith.muli %arg0, %mul3A : i32
    %mul3A_1 = arith.constant 256 : i32
    %mul3A_2 = arith.muli %arg1, %mul3A_1 : i32
    %add3A = arith.addi %mul3A_0, %mul3A_2 : i32
    %dma_start3A = arith.constant 0 : i32
    %dma_start3A_3 = tpu.memref_slice %arg2[%add3A, %dma_start3A] : memref<8192x512xf32, #tpu.memory_space<hbm>> -> memref<64x512xf32, #tpu.memory_space<hbm>>
    %dma_start3A_4 = arith.constant 0 : i32
    %dma_start3A_5 = tpu.memref_slice %arg2[%add3A, %dma_start3A_4] : memref<8192x512xf32, #tpu.memory_space<hbm>> -> memref<64x512xf32, #tpu.memory_space<hbm>>
    tpu.enqueue_dma source(%dma_start3A_5 : memref<64x512xf32, #tpu.memory_space<hbm>>) target(%arg9 : memref<64x512xf32, #tpu.memory_space<vmem>>) target_semaphore(%arg11 : memref<!tpu.dma_semaphore, #tpu.memory_space<semaphore_mem>>)
    %dma_wait3A = arith.constant 0 : i32
    %dma_wait3A_6 = tpu.memref_slice %arg2[%add3A, %dma_wait3A] : memref<8192x512xf32, #tpu.memory_space<hbm>> -> memref<64x512xf32, #tpu.memory_space<hbm>>
    %dma_wait3A_7 = arith.constant 0 : i32
    %dma_wait3A_8 = tpu.memref_slice %arg2[%add3A, %dma_wait3A_7] : memref<8192x512xf32, #tpu.memory_space<hbm>> -> memref<64x512xf32, #tpu.memory_space<hbm>>
    tpu.wait_dma2 semaphore(%arg11 : memref<!tpu.dma_semaphore, #tpu.memory_space<semaphore_mem>>) src(%dma_wait3A_8 : memref<64x512xf32, #tpu.memory_space<hbm>>) dst(%arg9 : memref<64x512xf32, #tpu.memory_space<vmem>>)
    %add3A_9 = arith.constant 0 : i32
    %add3A_10 = arith.addi %add3A, %add3A_9 : i32
    %dma_start3A_11 = arith.constant 0 : i32
    %dma_start3A_12 = tpu.memref_slice %arg5[%add3A_10, %dma_start3A_11] : memref<8200x512xf32, #tpu.memory_space<hbm>> -> memref<64x512xf32, #tpu.memory_space<hbm>>
    %dma_start3A_13 = arith.constant 0 : i32
    %dma_start3A_14 = tpu.memref_slice %arg5[%add3A_10, %dma_start3A_13] : memref<8200x512xf32, #tpu.memory_space<hbm>> -> memref<64x512xf32, #tpu.memory_space<hbm>>
    tpu.enqueue_dma source(%arg9 : memref<64x512xf32, #tpu.memory_space<vmem>>) target(%dma_start3A_14 : memref<64x512xf32, #tpu.memory_space<hbm>>) target_semaphore(%arg13 : memref<!tpu.dma_semaphore, #tpu.memory_space<semaphore_mem>>)
    %add3A_15 = arith.constant 64 : i32
    %add3A_16 = arith.addi %add3A, %add3A_15 : i32
    %dma_start3A_17 = arith.constant 0 : i32
    %dma_start3A_18 = tpu.memref_slice %arg2[%add3A_16, %dma_start3A_17] : memref<8192x512xf32, #tpu.memory_space<hbm>> -> memref<64x512xf32, #tpu.memory_space<hbm>>
    %dma_start3A_19 = arith.constant 0 : i32
    %dma_start3A_20 = tpu.memref_slice %arg2[%add3A_16, %dma_start3A_19] : memref<8192x512xf32, #tpu.memory_space<hbm>> -> memref<64x512xf32, #tpu.memory_space<hbm>>
    tpu.enqueue_dma source(%dma_start3A_20 : memref<64x512xf32, #tpu.memory_space<hbm>>) target(%arg10 : memref<64x512xf32, #tpu.memory_space<vmem>>) target_semaphore(%arg12 : memref<!tpu.dma_semaphore, #tpu.memory_space<semaphore_mem>>)
    %dma_wait3A_21 = arith.constant 0 : i32
    %dma_wait3A_22 = tpu.memref_slice %arg2[%add3A_16, %dma_wait3A_21] : memref<8192x512xf32, #tpu.memory_space<hbm>> -> memref<64x512xf32, #tpu.memory_space<hbm>>
    %dma_wait3A_23 = arith.constant 0 : i32
    %dma_wait3A_24 = tpu.memref_slice %arg2[%add3A_16, %dma_wait3A_23] : memref<8192x512xf32, #tpu.memory_space<hbm>> -> memref<64x512xf32, #tpu.memory_space<hbm>>
    tpu.wait_dma2 semaphore(%arg12 : memref<!tpu.dma_semaphore, #tpu.memory_space<semaphore_mem>>) src(%dma_wait3A_24 : memref<64x512xf32, #tpu.memory_space<hbm>>) dst(%arg10 : memref<64x512xf32, #tpu.memory_space<vmem>>)
    %add3A_25 = arith.constant 64 : i32
    %add3A_26 = arith.addi %add3A, %add3A_25 : i32
    %dma_start3A_27 = arith.constant 0 : i32
    %dma_start3A_28 = tpu.memref_slice %arg5[%add3A_26, %dma_start3A_27] : memref<8200x512xf32, #tpu.memory_space<hbm>> -> memref<64x512xf32, #tpu.memory_space<hbm>>
    %dma_start3A_29 = arith.constant 0 : i32
    %dma_start3A_30 = tpu.memref_slice %arg5[%add3A_26, %dma_start3A_29] : memref<8200x512xf32, #tpu.memory_space<hbm>> -> memref<64x512xf32, #tpu.memory_space<hbm>>
    tpu.enqueue_dma source(%arg10 : memref<64x512xf32, #tpu.memory_space<vmem>>) target(%dma_start3A_30 : memref<64x512xf32, #tpu.memory_space<hbm>>) target_semaphore(%arg14 : memref<!tpu.dma_semaphore, #tpu.memory_space<semaphore_mem>>)
    %dma_wait3A_31 = arith.constant 0 : i32
    %dma_wait3A_32 = tpu.memref_slice %arg5[%add3A_10, %dma_wait3A_31] : memref<8200x512xf32, #tpu.memory_space<hbm>> -> memref<64x512xf32, #tpu.memory_space<hbm>>
    %dma_wait3A_33 = arith.constant 0 : i32
    %dma_wait3A_34 = tpu.memref_slice %arg5[%add3A_10, %dma_wait3A_33] : memref<8200x512xf32, #tpu.memory_space<hbm>> -> memref<64x512xf32, #tpu.memory_space<hbm>>
    tpu.wait_dma2 semaphore(%arg13 : memref<!tpu.dma_semaphore, #tpu.memory_space<semaphore_mem>>) src(%arg9 : memref<64x512xf32, #tpu.memory_space<vmem>>) dst(%dma_wait3A_34 : memref<64x512xf32, #tpu.memory_space<hbm>>)
    %add3A_35 = arith.constant 128 : i32
    %add3A_36 = arith.addi %add3A, %add3A_35 : i32
    %dma_start3A_37 = arith.constant 0 : i32
    %dma_start3A_38 = tpu.memref_slice %arg2[%add3A_36, %dma_start3A_37] : memref<8192x512xf32, #tpu.memory_space<hbm>> -> memref<64x512xf32, #tpu.memory_space<hbm>>
    %dma_start3A_39 = arith.constant 0 : i32
    %dma_start3A_40 = tpu.memref_slice %arg2[%add3A_36, %dma_start3A_39] : memref<8192x512xf32, #tpu.memory_space<hbm>> -> memref<64x512xf32, #tpu.memory_space<hbm>>
    tpu.enqueue_dma source(%dma_start3A_40 : memref<64x512xf32, #tpu.memory_space<hbm>>) target(%arg9 : memref<64x512xf32, #tpu.memory_space<vmem>>) target_semaphore(%arg11 : memref<!tpu.dma_semaphore, #tpu.memory_space<semaphore_mem>>)
    %dma_wait3A_41 = arith.constant 0 : i32
    %dma_wait3A_42 = tpu.memref_slice %arg2[%add3A_36, %dma_wait3A_41] : memref<8192x512xf32, #tpu.memory_space<hbm>> -> memref<64x512xf32, #tpu.memory_space<hbm>>
    %dma_wait3A_43 = arith.constant 0 : i32
    %dma_wait3A_44 = tpu.memref_slice %arg2[%add3A_36, %dma_wait3A_43] : memref<8192x512xf32, #tpu.memory_space<hbm>> -> memref<64x512xf32, #tpu.memory_space<hbm>>
    tpu.wait_dma2 semaphore(%arg11 : memref<!tpu.dma_semaphore, #tpu.memory_space<semaphore_mem>>) src(%dma_wait3A_44 : memref<64x512xf32, #tpu.memory_space<hbm>>) dst(%arg9 : memref<64x512xf32, #tpu.memory_space<vmem>>)
    %add3A_45 = arith.constant 128 : i32
    %add3A_46 = arith.addi %add3A, %add3A_45 : i32
    %dma_start3A_47 = arith.constant 0 : i32
    %dma_start3A_48 = tpu.memref_slice %arg5[%add3A_46, %dma_start3A_47] : memref<8200x512xf32, #tpu.memory_space<hbm>> -> memref<64x512xf32, #tpu.memory_space<hbm>>
    %dma_start3A_49 = arith.constant 0 : i32
    %dma_start3A_50 = tpu.memref_slice %arg5[%add3A_46, %dma_start3A_49] : memref<8200x512xf32, #tpu.memory_space<hbm>> -> memref<64x512xf32, #tpu.memory_space<hbm>>
    tpu.enqueue_dma source(%arg9 : memref<64x512xf32, #tpu.memory_space<vmem>>) target(%dma_start3A_50 : memref<64x512xf32, #tpu.memory_space<hbm>>) target_semaphore(%arg13 : memref<!tpu.dma_semaphore, #tpu.memory_space<semaphore_mem>>)
    %dma_wait3A_51 = arith.constant 0 : i32
    %dma_wait3A_52 = tpu.memref_slice %arg5[%add3A_26, %dma_wait3A_51] : memref<8200x512xf32, #tpu.memory_space<hbm>> -> memref<64x512xf32, #tpu.memory_space<hbm>>
    %dma_wait3A_53 = arith.constant 0 : i32
    %dma_wait3A_54 = tpu.memref_slice %arg5[%add3A_26, %dma_wait3A_53] : memref<8200x512xf32, #tpu.memory_space<hbm>> -> memref<64x512xf32, #tpu.memory_space<hbm>>
    tpu.wait_dma2 semaphore(%arg14 : memref<!tpu.dma_semaphore, #tpu.memory_space<semaphore_mem>>) src(%arg10 : memref<64x512xf32, #tpu.memory_space<vmem>>) dst(%dma_wait3A_54 : memref<64x512xf32, #tpu.memory_space<hbm>>)
    %add3A_55 = arith.constant 192 : i32
    %add3A_56 = arith.addi %add3A, %add3A_55 : i32
    %dma_start3A_57 = arith.constant 0 : i32
    %dma_start3A_58 = tpu.memref_slice %arg2[%add3A_56, %dma_start3A_57] : memref<8192x512xf32, #tpu.memory_space<hbm>> -> memref<64x512xf32, #tpu.memory_space<hbm>>
    %dma_start3A_59 = arith.constant 0 : i32
    %dma_start3A_60 = tpu.memref_slice %arg2[%add3A_56, %dma_start3A_59] : memref<8192x512xf32, #tpu.memory_space<hbm>> -> memref<64x512xf32, #tpu.memory_space<hbm>>
    tpu.enqueue_dma source(%dma_start3A_60 : memref<64x512xf32, #tpu.memory_space<hbm>>) target(%arg10 : memref<64x512xf32, #tpu.memory_space<vmem>>) target_semaphore(%arg12 : memref<!tpu.dma_semaphore, #tpu.memory_space<semaphore_mem>>)
    %dma_wait3A_61 = arith.constant 0 : i32
    %dma_wait3A_62 = tpu.memref_slice %arg2[%add3A_56, %dma_wait3A_61] : memref<8192x512xf32, #tpu.memory_space<hbm>> -> memref<64x512xf32, #tpu.memory_space<hbm>>
    %dma_wait3A_63 = arith.constant 0 : i32
    %dma_wait3A_64 = tpu.memref_slice %arg2[%add3A_56, %dma_wait3A_63] : memref<8192x512xf32, #tpu.memory_space<hbm>> -> memref<64x512xf32, #tpu.memory_space<hbm>>
    tpu.wait_dma2 semaphore(%arg12 : memref<!tpu.dma_semaphore, #tpu.memory_space<semaphore_mem>>) src(%dma_wait3A_64 : memref<64x512xf32, #tpu.memory_space<hbm>>) dst(%arg10 : memref<64x512xf32, #tpu.memory_space<vmem>>)
    %add3A_65 = arith.constant 192 : i32
    %add3A_66 = arith.addi %add3A, %add3A_65 : i32
    %dma_start3A_67 = arith.constant 0 : i32
    %dma_start3A_68 = tpu.memref_slice %arg5[%add3A_66, %dma_start3A_67] : memref<8200x512xf32, #tpu.memory_space<hbm>> -> memref<64x512xf32, #tpu.memory_space<hbm>>
    %dma_start3A_69 = arith.constant 0 : i32
    %dma_start3A_70 = tpu.memref_slice %arg5[%add3A_66, %dma_start3A_69] : memref<8200x512xf32, #tpu.memory_space<hbm>> -> memref<64x512xf32, #tpu.memory_space<hbm>>
    tpu.enqueue_dma source(%arg10 : memref<64x512xf32, #tpu.memory_space<vmem>>) target(%dma_start3A_70 : memref<64x512xf32, #tpu.memory_space<hbm>>) target_semaphore(%arg14 : memref<!tpu.dma_semaphore, #tpu.memory_space<semaphore_mem>>)
    %dma_wait3A_71 = arith.constant 0 : i32
    %dma_wait3A_72 = tpu.memref_slice %arg5[%add3A_46, %dma_wait3A_71] : memref<8200x512xf32, #tpu.memory_space<hbm>> -> memref<64x512xf32, #tpu.memory_space<hbm>>
    %dma_wait3A_73 = arith.constant 0 : i32
    %dma_wait3A_74 = tpu.memref_slice %arg5[%add3A_46, %dma_wait3A_73] : memref<8200x512xf32, #tpu.memory_space<hbm>> -> memref<64x512xf32, #tpu.memory_space<hbm>>
    tpu.wait_dma2 semaphore(%arg13 : memref<!tpu.dma_semaphore, #tpu.memory_space<semaphore_mem>>) src(%arg9 : memref<64x512xf32, #tpu.memory_space<vmem>>) dst(%dma_wait3A_74 : memref<64x512xf32, #tpu.memory_space<hbm>>)
    %dma_wait3A_75 = arith.constant 0 : i32
    %dma_wait3A_76 = tpu.memref_slice %arg5[%add3A_66, %dma_wait3A_75] : memref<8200x512xf32, #tpu.memory_space<hbm>> -> memref<64x512xf32, #tpu.memory_space<hbm>>
    %dma_wait3A_77 = arith.constant 0 : i32
    %dma_wait3A_78 = tpu.memref_slice %arg5[%add3A_66, %dma_wait3A_77] : memref<8200x512xf32, #tpu.memory_space<hbm>> -> memref<64x512xf32, #tpu.memory_space<hbm>>
    tpu.wait_dma2 semaphore(%arg14 : memref<!tpu.dma_semaphore, #tpu.memory_space<semaphore_mem>>) src(%arg10 : memref<64x512xf32, #tpu.memory_space<vmem>>) dst(%dma_wait3A_78 : memref<64x512xf32, #tpu.memory_space<hbm>>)
    %mul3A_79 = arith.constant 128 : i32
    %mul3A_80 = arith.muli %arg1, %mul3A_79 : i32
    "tpu.region"() ({
      %run_scoped3A = tpu.sem_alloc : memref<!tpu.dma_semaphore, #tpu.memory_space<semaphore_mem>>
      %dma_start3A_264 = tpu.memref_slice %arg3[%mul3A_80] : memref<2048xi32, #tpu.memory_space<hbm>> -> memref<128xi32, #tpu.memory_space<hbm>>
      %dma_start3A_265 = tpu.memref_slice %arg3[%mul3A_80] : memref<2048xi32, #tpu.memory_space<hbm>> -> memref<128xi32, #tpu.memory_space<hbm>>
      tpu.enqueue_dma source(%dma_start3A_265 : memref<128xi32, #tpu.memory_space<hbm>>) target(%arg6 : memref<128xi32, #tpu.memory_space<vmem>>) target_semaphore(%run_scoped3A : memref<!tpu.dma_semaphore, #tpu.memory_space<semaphore_mem>>)
      %dma_wait3A_266 = tpu.memref_slice %arg3[%mul3A_80] : memref<2048xi32, #tpu.memory_space<hbm>> -> memref<128xi32, #tpu.memory_space<hbm>>
      %dma_wait3A_267 = tpu.memref_slice %arg3[%mul3A_80] : memref<2048xi32, #tpu.memory_space<hbm>> -> memref<128xi32, #tpu.memory_space<hbm>>
      tpu.wait_dma2 semaphore(%run_scoped3A : memref<!tpu.dma_semaphore, #tpu.memory_space<semaphore_mem>>) src(%dma_wait3A_267 : memref<128xi32, #tpu.memory_space<hbm>>) dst(%arg6 : memref<128xi32, #tpu.memory_space<vmem>>)
      tpu.yield
    }) : () -> ()
    %get3A = arith.constant 0 : index
    %get3A_81 = tpu.vector_load %arg6[%get3A] {strides = array<i32>} : memref<128xi32, #tpu.memory_space<vmem>>, vector<16xi32>,
    %get3A_82 = vector.shape_cast %get3A_81 : vector<16xi32> to vector<16xi32>
    %mul3A_83 = arith.constant 4096 : i32
    %mul3A_84 = arith.muli %arg0, %mul3A_83 : i32
    %ge3A = vector.broadcast %mul3A_84 : i32 to vector<16xi32>
    %ge3A_85 = arith.cmpi sge, %get3A_82, %ge3A : vector<16xi32>
    %add3A_86 = arith.constant 1 : i32
    %add3A_87 = arith.addi %arg0, %add3A_86 : i32
    %mul3A_88 = arith.constant 4096 : i32
    %mul3A_89 = arith.muli %add3A_87, %mul3A_88 : i32
    %lt3A = vector.broadcast %mul3A_89 : i32 to vector<16xi32>
    %lt3A_90 = arith.cmpi slt, %get3A_82, %lt3A : vector<16xi32>
    %and3A = arith.andi %ge3A_85, %lt3A_90 : vector<16xi1>
    %add3A_91 = arith.constant 8192 : i32
    %add3A_92 = arith.addi %add3A_91, %arg0 : i32
    %broadcast_in_dim3A = vector.broadcast %add3A_92 : i32 to vector<16xi32>
    %select_n3A = arith.select %and3A, %get3A_82, %broadcast_in_dim3A : vector<16xi1>, vector<16xi32>
    %swap3A = arith.constant 0 : index
    %swap3A_93 = tpu.vector_load %arg7[%swap3A] {strides = array<i32>} : memref<64xi32, #tpu.memory_space<vmem>>, vector<16xi32>,
    %swap3A_94 = vector.shape_cast %swap3A_93 : vector<16xi32> to vector<16xi32>
    %swap3A_95 = vector.shape_cast %select_n3A : vector<16xi32> to vector<16xi32>
    tpu.vector_store %arg7[%swap3A], %swap3A_95 {strides = array<i32>} : memref<64xi32, #tpu.memory_space<vmem>>, vector<16xi32>,
    %get3A_96 = arith.constant 16 : index
    %get3A_97 = tpu.vector_load %arg6[%get3A_96] {strides = array<i32>} : memref<128xi32, #tpu.memory_space<vmem>>, vector<16xi32>,
    %get3A_98 = vector.shape_cast %get3A_97 : vector<16xi32> to vector<16xi32>
    %mul3A_99 = arith.constant 4096 : i32
    %mul3A_100 = arith.muli %arg0, %mul3A_99 : i32
    %ge3A_101 = vector.broadcast %mul3A_100 : i32 to vector<16xi32>
    %ge3A_102 = arith.cmpi sge, %get3A_98, %ge3A_101 : vector<16xi32>
    %add3A_103 = arith.constant 1 : i32
    %add3A_104 = arith.addi %arg0, %add3A_103 : i32
    %mul3A_105 = arith.constant 4096 : i32
    %mul3A_106 = arith.muli %add3A_104, %mul3A_105 : i32
    %lt3A_107 = vector.broadcast %mul3A_106 : i32 to vector<16xi32>
    %lt3A_108 = arith.cmpi slt, %get3A_98, %lt3A_107 : vector<16xi32>
    %and3A_109 = arith.andi %ge3A_102, %lt3A_108 : vector<16xi1>
    %add3A_110 = arith.constant 8192 : i32
    %add3A_111 = arith.addi %add3A_110, %arg0 : i32
    %broadcast_in_dim3A_112 = vector.broadcast %add3A_111 : i32 to vector<16xi32>
    %select_n3A_113 = arith.select %and3A_109, %get3A_98, %broadcast_in_dim3A_112 : vector<16xi1>, vector<16xi32>
    %swap3A_114 = arith.constant 16 : index
    %swap3A_115 = tpu.vector_load %arg7[%swap3A_114] {strides = array<i32>} : memref<64xi32, #tpu.memory_space<vmem>>, vector<16xi32>,
    %swap3A_116 = vector.shape_cast %swap3A_115 : vector<16xi32> to vector<16xi32>
    %swap3A_117 = vector.shape_cast %select_n3A_113 : vector<16xi32> to vector<16xi32>
    tpu.vector_store %arg7[%swap3A_114], %swap3A_117 {strides = array<i32>} : memref<64xi32, #tpu.memory_space<vmem>>, vector<16xi32>,
    %get3A_118 = arith.constant 32 : index
    %get3A_119 = tpu.vector_load %arg6[%get3A_118] {strides = array<i32>} : memref<128xi32, #tpu.memory_space<vmem>>, vector<16xi32>,
    %get3A_120 = vector.shape_cast %get3A_119 : vector<16xi32> to vector<16xi32>
    %mul3A_121 = arith.constant 4096 : i32
    %mul3A_122 = arith.muli %arg0, %mul3A_121 : i32
    %ge3A_123 = vector.broadcast %mul3A_122 : i32 to vector<16xi32>
    %ge3A_124 = arith.cmpi sge, %get3A_120, %ge3A_123 : vector<16xi32>
    %add3A_125 = arith.constant 1 : i32
    %add3A_126 = arith.addi %arg0, %add3A_125 : i32
    %mul3A_127 = arith.constant 4096 : i32
    %mul3A_128 = arith.muli %add3A_126, %mul3A_127 : i32
    %lt3A_129 = vector.broadcast %mul3A_128 : i32 to vector<16xi32>
    %lt3A_130 = arith.cmpi slt, %get3A_120, %lt3A_129 : vector<16xi32>
    %and3A_131 = arith.andi %ge3A_124, %lt3A_130 : vector<16xi1>
    %add3A_132 = arith.constant 8192 : i32
    %add3A_133 = arith.addi %add3A_132, %arg0 : i32
    %broadcast_in_dim3A_134 = vector.broadcast %add3A_133 : i32 to vector<16xi32>
    %select_n3A_135 = arith.select %and3A_131, %get3A_120, %broadcast_in_dim3A_134 : vector<16xi1>, vector<16xi32>
    %swap3A_136 = arith.constant 32 : index
    %swap3A_137 = tpu.vector_load %arg7[%swap3A_136] {strides = array<i32>} : memref<64xi32, #tpu.memory_space<vmem>>, vector<16xi32>,
    %swap3A_138 = vector.shape_cast %swap3A_137 : vector<16xi32> to vector<16xi32>
    %swap3A_139 = vector.shape_cast %select_n3A_135 : vector<16xi32> to vector<16xi32>
    tpu.vector_store %arg7[%swap3A_136], %swap3A_139 {strides = array<i32>} : memref<64xi32, #tpu.memory_space<vmem>>, vector<16xi32>,
    %get3A_140 = arith.constant 48 : index
    %get3A_141 = tpu.vector_load %arg6[%get3A_140] {strides = array<i32>} : memref<128xi32, #tpu.memory_space<vmem>>, vector<16xi32>,
    %get3A_142 = vector.shape_cast %get3A_141 : vector<16xi32> to vector<16xi32>
    %mul3A_143 = arith.constant 4096 : i32
    %mul3A_144 = arith.muli %arg0, %mul3A_143 : i32
    %ge3A_145 = vector.broadcast %mul3A_144 : i32 to vector<16xi32>
    %ge3A_146 = arith.cmpi sge, %get3A_142, %ge3A_145 : vector<16xi32>
    %add3A_147 = arith.constant 1 : i32
    %add3A_148 = arith.addi %arg0, %add3A_147 : i32
    %mul3A_149 = arith.constant 4096 : i32
    %mul3A_150 = arith.muli %add3A_148, %mul3A_149 : i32
    %lt3A_151 = vector.broadcast %mul3A_150 : i32 to vector<16xi32>
    %lt3A_152 = arith.cmpi slt, %get3A_142, %lt3A_151 : vector<16xi32>
    %and3A_153 = arith.andi %ge3A_146, %lt3A_152 : vector<16xi1>
    %add3A_154 = arith.constant 8192 : i32
    %add3A_155 = arith.addi %add3A_154, %arg0 : i32
    %broadcast_in_dim3A_156 = vector.broadcast %add3A_155 : i32 to vector<16xi32>
    %select_n3A_157 = arith.select %and3A_153, %get3A_142, %broadcast_in_dim3A_156 : vector<16xi1>, vector<16xi32>
    %swap3A_158 = arith.constant 48 : index
    %swap3A_159 = tpu.vector_load %arg7[%swap3A_158] {strides = array<i32>} : memref<64xi32, #tpu.memory_space<vmem>>, vector<16xi32>,
    %swap3A_160 = vector.shape_cast %swap3A_159 : vector<16xi32> to vector<16xi32>
    %swap3A_161 = vector.shape_cast %select_n3A_157 : vector<16xi32> to vector<16xi32>
    tpu.vector_store %arg7[%swap3A_158], %swap3A_161 {strides = array<i32>} : memref<64xi32, #tpu.memory_space<vmem>>, vector<16xi32>,
    %get3A_162 = arith.constant 64 : index
    %get3A_163 = tpu.vector_load %arg6[%get3A_162] {strides = array<i32>} : memref<128xi32, #tpu.memory_space<vmem>>, vector<16xi32>,
    %get3A_164 = vector.shape_cast %get3A_163 : vector<16xi32> to vector<16xi32>
    %mul3A_165 = arith.constant 4096 : i32
    %mul3A_166 = arith.muli %arg0, %mul3A_165 : i32
    %ge3A_167 = vector.broadcast %mul3A_166 : i32 to vector<16xi32>
    %ge3A_168 = arith.cmpi sge, %get3A_164, %ge3A_167 : vector<16xi32>
    %add3A_169 = arith.constant 1 : i32
    %add3A_170 = arith.addi %arg0, %add3A_169 : i32
    %mul3A_171 = arith.constant 4096 : i32
    %mul3A_172 = arith.muli %add3A_170, %mul3A_171 : i32
    %lt3A_173 = vector.broadcast %mul3A_172 : i32 to vector<16xi32>
    %lt3A_174 = arith.cmpi slt, %get3A_164, %lt3A_173 : vector<16xi32>
    %and3A_175 = arith.andi %ge3A_168, %lt3A_174 : vector<16xi1>
    %add3A_176 = arith.constant 8192 : i32
    %add3A_177 = arith.addi %add3A_176, %arg0 : i32
    %broadcast_in_dim3A_178 = vector.broadcast %add3A_177 : i32 to vector<16xi32>
    %select_n3A_179 = arith.select %and3A_175, %get3A_164, %broadcast_in_dim3A_178 : vector<16xi1>, vector<16xi32>
    %swap3A_180 = arith.constant 0 : index
    %swap3A_181 = tpu.vector_load %arg8[%swap3A_180] {strides = array<i32>} : memref<64xi32, #tpu.memory_space<vmem>>, vector<16xi32>,
    %swap3A_182 = vector.shape_cast %swap3A_181 : vector<16xi32> to vector<16xi32>
    %swap3A_183 = vector.shape_cast %select_n3A_179 : vector<16xi32> to vector<16xi32>
    tpu.vector_store %arg8[%swap3A_180], %swap3A_183 {strides = array<i32>} : memref<64xi32, #tpu.memory_space<vmem>>, vector<16xi32>,
    %get3A_184 = arith.constant 80 : index
    %get3A_185 = tpu.vector_load %arg6[%get3A_184] {strides = array<i32>} : memref<128xi32, #tpu.memory_space<vmem>>, vector<16xi32>,
    %get3A_186 = vector.shape_cast %get3A_185 : vector<16xi32> to vector<16xi32>
    %mul3A_187 = arith.constant 4096 : i32
    %mul3A_188 = arith.muli %arg0, %mul3A_187 : i32
    %ge3A_189 = vector.broadcast %mul3A_188 : i32 to vector<16xi32>
    %ge3A_190 = arith.cmpi sge, %get3A_186, %ge3A_189 : vector<16xi32>
    %add3A_191 = arith.constant 1 : i32
    %add3A_192 = arith.addi %arg0, %add3A_191 : i32
    %mul3A_193 = arith.constant 4096 : i32
    %mul3A_194 = arith.muli %add3A_192, %mul3A_193 : i32
    %lt3A_195 = vector.broadcast %mul3A_194 : i32 to vector<16xi32>
    %lt3A_196 = arith.cmpi slt, %get3A_186, %lt3A_195 : vector<16xi32>
    %and3A_197 = arith.andi %ge3A_190, %lt3A_196 : vector<16xi1>
    %add3A_198 = arith.constant 8192 : i32
    %add3A_199 = arith.addi %add3A_198, %arg0 : i32
    %broadcast_in_dim3A_200 = vector.broadcast %add3A_199 : i32 to vector<16xi32>
    %select_n3A_201 = arith.select %and3A_197, %get3A_186, %broadcast_in_dim3A_200 : vector<16xi1>, vector<16xi32>
    %swap3A_202 = arith.constant 16 : index
    %swap3A_203 = tpu.vector_load %arg8[%swap3A_202] {strides = array<i32>} : memref<64xi32, #tpu.memory_space<vmem>>, vector<16xi32>,
    %swap3A_204 = vector.shape_cast %swap3A_203 : vector<16xi32> to vector<16xi32>
    %swap3A_205 = vector.shape_cast %select_n3A_201 : vector<16xi32> to vector<16xi32>
    tpu.vector_store %arg8[%swap3A_202], %swap3A_205 {strides = array<i32>} : memref<64xi32, #tpu.memory_space<vmem>>, vector<16xi32>,
    %get3A_206 = arith.constant 96 : index
    %get3A_207 = tpu.vector_load %arg6[%get3A_206] {strides = array<i32>} : memref<128xi32, #tpu.memory_space<vmem>>, vector<16xi32>,
    %get3A_208 = vector.shape_cast %get3A_207 : vector<16xi32> to vector<16xi32>
    %mul3A_209 = arith.constant 4096 : i32
    %mul3A_210 = arith.muli %arg0, %mul3A_209 : i32
    %ge3A_211 = vector.broadcast %mul3A_210 : i32 to vector<16xi32>
    %ge3A_212 = arith.cmpi sge, %get3A_208, %ge3A_211 : vector<16xi32>
    %add3A_213 = arith.constant 1 : i32
    %add3A_214 = arith.addi %arg0, %add3A_213 : i32
    %mul3A_215 = arith.constant 4096 : i32
    %mul3A_216 = arith.muli %add3A_214, %mul3A_215 : i32
    %lt3A_217 = vector.broadcast %mul3A_216 : i32 to vector<16xi32>
    %lt3A_218 = arith.cmpi slt, %get3A_208, %lt3A_217 : vector<16xi32>
    %and3A_219 = arith.andi %ge3A_212, %lt3A_218 : vector<16xi1>
    %add3A_220 = arith.constant 8192 : i32
    %add3A_221 = arith.addi %add3A_220, %arg0 : i32
    %broadcast_in_dim3A_222 = vector.broadcast %add3A_221 : i32 to vector<16xi32>
    %select_n3A_223 = arith.select %and3A_219, %get3A_208, %broadcast_in_dim3A_222 : vector<16xi1>, vector<16xi32>
    %swap3A_224 = arith.constant 32 : index
    %swap3A_225 = tpu.vector_load %arg8[%swap3A_224] {strides = array<i32>} : memref<64xi32, #tpu.memory_space<vmem>>, vector<16xi32>,
    %swap3A_226 = vector.shape_cast %swap3A_225 : vector<16xi32> to vector<16xi32>
    %swap3A_227 = vector.shape_cast %select_n3A_223 : vector<16xi32> to vector<16xi32>
    tpu.vector_store %arg8[%swap3A_224], %swap3A_227 {strides = array<i32>} : memref<64xi32, #tpu.memory_space<vmem>>, vector<16xi32>,
    %get3A_228 = arith.constant 112 : index
    %get3A_229 = tpu.vector_load %arg6[%get3A_228] {strides = array<i32>} : memref<128xi32, #tpu.memory_space<vmem>>, vector<16xi32>,
    %get3A_230 = vector.shape_cast %get3A_229 : vector<16xi32> to vector<16xi32>
    %mul3A_231 = arith.constant 4096 : i32
    %mul3A_232 = arith.muli %arg0, %mul3A_231 : i32
    %ge3A_233 = vector.broadcast %mul3A_232 : i32 to vector<16xi32>
    %ge3A_234 = arith.cmpi sge, %get3A_230, %ge3A_233 : vector<16xi32>
    %add3A_235 = arith.constant 1 : i32
    %add3A_236 = arith.addi %arg0, %add3A_235 : i32
    %mul3A_237 = arith.constant 4096 : i32
    %mul3A_238 = arith.muli %add3A_236, %mul3A_237 : i32
    %lt3A_239 = vector.broadcast %mul3A_238 : i32 to vector<16xi32>
    %lt3A_240 = arith.cmpi slt, %get3A_230, %lt3A_239 : vector<16xi32>
    %and3A_241 = arith.andi %ge3A_234, %lt3A_240 : vector<16xi1>
    %add3A_242 = arith.constant 8192 : i32
    %add3A_243 = arith.addi %add3A_242, %arg0 : i32
    %broadcast_in_dim3A_244 = vector.broadcast %add3A_243 : i32 to vector<16xi32>
    %select_n3A_245 = arith.select %and3A_241, %get3A_230, %broadcast_in_dim3A_244 : vector<16xi1>, vector<16xi32>
    %swap3A_246 = arith.constant 48 : index
    %swap3A_247 = tpu.vector_load %arg8[%swap3A_246] {strides = array<i32>} : memref<64xi32, #tpu.memory_space<vmem>>, vector<16xi32>,
    %swap3A_248 = vector.shape_cast %swap3A_247 : vector<16xi32> to vector<16xi32>
    %swap3A_249 = vector.shape_cast %select_n3A_245 : vector<16xi32> to vector<16xi32>
    tpu.vector_store %arg8[%swap3A_246], %swap3A_249 {strides = array<i32>} : memref<64xi32, #tpu.memory_space<vmem>>, vector<16xi32>,
    "tpu.region"() ({
      %run_scoped3A = tpu.sem_alloc : memref<!tpu.dma_semaphore, #tpu.memory_space<semaphore_mem>>
      %dma_start3A_264 = arith.constant 0 : i32
      %dma_start3A_265 = tpu.memref_slice %arg4[%mul3A_80, %dma_start3A_264] : memref<2048x512xf32, #tpu.memory_space<hbm>> -> memref<64x512xf32, #tpu.memory_space<hbm>>
      %dma_start3A_266 = arith.constant 0 : i32
      %dma_start3A_267 = tpu.memref_slice %arg4[%mul3A_80, %dma_start3A_266] : memref<2048x512xf32, #tpu.memory_space<hbm>> -> memref<64x512xf32, #tpu.memory_space<hbm>>
      tpu.enqueue_dma source(%dma_start3A_267 : memref<64x512xf32, #tpu.memory_space<hbm>>) target(%arg9 : memref<64x512xf32, #tpu.memory_space<vmem>>) target_semaphore(%run_scoped3A : memref<!tpu.dma_semaphore, #tpu.memory_space<semaphore_mem>>)
      %dma_wait3A_268 = arith.constant 0 : i32
      %dma_wait3A_269 = tpu.memref_slice %arg4[%mul3A_80, %dma_wait3A_268] : memref<2048x512xf32, #tpu.memory_space<hbm>> -> memref<64x512xf32, #tpu.memory_space<hbm>>
      %dma_wait3A_270 = arith.constant 0 : i32
      %dma_wait3A_271 = tpu.memref_slice %arg4[%mul3A_80, %dma_wait3A_270] : memref<2048x512xf32, #tpu.memory_space<hbm>> -> memref<64x512xf32, #tpu.memory_space<hbm>>
      tpu.wait_dma2 semaphore(%run_scoped3A : memref<!tpu.dma_semaphore, #tpu.memory_space<semaphore_mem>>) src(%dma_wait3A_271 : memref<64x512xf32, #tpu.memory_space<hbm>>) dst(%arg9 : memref<64x512xf32, #tpu.memory_space<vmem>>)
      tpu.yield
    }) : () -> ()
    %add3A_250 = arith.constant 64 : i32
    %add3A_251 = arith.addi %mul3A_80, %add3A_250 : i32
    "tpu.region"() ({
      %run_scoped3A = tpu.sem_alloc : memref<!tpu.dma_semaphore, #tpu.memory_space<semaphore_mem>>
      %dma_start3A_264 = arith.constant 0 : i32
      %dma_start3A_265 = tpu.memref_slice %arg4[%add3A_251, %dma_start3A_264] : memref<2048x512xf32, #tpu.memory_space<hbm>> -> memref<64x512xf32, #tpu.memory_space<hbm>>
      %dma_start3A_266 = arith.constant 0 : i32
      %dma_start3A_267 = tpu.memref_slice %arg4[%add3A_251, %dma_start3A_266] : memref<2048x512xf32, #tpu.memory_space<hbm>> -> memref<64x512xf32, #tpu.memory_space<hbm>>
      tpu.enqueue_dma source(%dma_start3A_267 : memref<64x512xf32, #tpu.memory_space<hbm>>) target(%arg10 : memref<64x512xf32, #tpu.memory_space<vmem>>) target_semaphore(%run_scoped3A : memref<!tpu.dma_semaphore, #tpu.memory_space<semaphore_mem>>)
      %dma_wait3A_268 = arith.constant 0 : i32
      %dma_wait3A_269 = tpu.memref_slice %arg4[%add3A_251, %dma_wait3A_268] : memref<2048x512xf32, #tpu.memory_space<hbm>> -> memref<64x512xf32, #tpu.memory_space<hbm>>
      %dma_wait3A_270 = arith.constant 0 : i32
      %dma_wait3A_271 = tpu.memref_slice %arg4[%add3A_251, %dma_wait3A_270] : memref<2048x512xf32, #tpu.memory_space<hbm>> -> memref<64x512xf32, #tpu.memory_space<hbm>>
      tpu.wait_dma2 semaphore(%run_scoped3A : memref<!tpu.dma_semaphore, #tpu.memory_space<semaphore_mem>>) src(%dma_wait3A_271 : memref<64x512xf32, #tpu.memory_space<hbm>>) dst(%arg10 : memref<64x512xf32, #tpu.memory_space<vmem>>)
      tpu.yield
    }) : () -> ()
    %barrier3A = arith.constant 0 : index
    tpu.barrier barrier_id(%barrier3A)
    %dma_start3A_252 = arith.constant 0 : i32
    %dma_start3A_253 = arith.constant 0 : i32
    %dma_start3A_254 = tpu.memref_slice %arg5[%dma_start3A_252, %dma_start3A_253] : memref<8200x512xf32, #tpu.memory_space<hbm>> -> memref<8200x512xf32, #tpu.memory_space<hbm>>
    tpu.enqueue_indirect_dma source(%arg9 : memref<64x512xf32, #tpu.memory_space<vmem>>) target(%dma_start3A_254 : memref<8200x512xf32, #tpu.memory_space<hbm>>) offsets(%arg7 : memref<64xi32, #tpu.memory_space<vmem>>) semaphore(%arg13 : memref<!tpu.dma_semaphore, #tpu.memory_space<semaphore_mem>>)
    %dma_start3A_255 = arith.constant 0 : i32
    %dma_start3A_256 = arith.constant 0 : i32
    %dma_start3A_257 = tpu.memref_slice %arg5[%dma_start3A_255, %dma_start3A_256] : memref<8200x512xf32, #tpu.memory_space<hbm>> -> memref<8200x512xf32, #tpu.memory_space<hbm>>
    tpu.enqueue_indirect_dma source(%arg10 : memref<64x512xf32, #tpu.memory_space<vmem>>) target(%dma_start3A_257 : memref<8200x512xf32, #tpu.memory_space<hbm>>) offsets(%arg8 : memref<64xi32, #tpu.memory_space<vmem>>) semaphore(%arg14 : memref<!tpu.dma_semaphore, #tpu.memory_space<semaphore_mem>>)
    %dma_wait3A_258 = arith.constant 0 : i32
    %dma_wait3A_259 = arith.constant 0 : i32
    %dma_wait3A_260 = tpu.memref_slice %arg5[%dma_wait3A_258, %dma_wait3A_259] : memref<8200x512xf32, #tpu.memory_space<hbm>> -> memref<8200x512xf32, #tpu.memory_space<hbm>>
    tpu.wait_indirect_dma semaphore(%arg13 : memref<!tpu.dma_semaphore, #tpu.memory_space<semaphore_mem>>) src(%arg9 : memref<64x512xf32, #tpu.memory_space<vmem>>) dst(%dma_wait3A_260 : memref<8200x512xf32, #tpu.memory_space<hbm>>)
    %dma_wait3A_261 = arith.constant 0 : i32
    %dma_wait3A_262 = arith.constant 0 : i32
    %dma_wait3A_263 = tpu.memref_slice %arg5[%dma_wait3A_261, %dma_wait3A_262] : memref<8200x512xf32, #tpu.memory_space<hbm>> -> memref<8200x512xf32, #tpu.memory_space<hbm>>
    tpu.wait_indirect_dma semaphore(%arg14 : memref<!tpu.dma_semaphore, #tpu.memory_space<semaphore_mem>>) src(%arg10 : memref<64x512xf32, #tpu.memory_space<vmem>>) dst(%dma_wait3A_263 : memref<8200x512xf32, #tpu.memory_space<hbm>>)
    return
  }
}

module attributes {stable_mosaic.version = 14 : i64} {
  func.func @_align_body(%arg0: i32, %arg1: memref<512x512xf32, #tpu.memory_space<vmem>>, %arg2: memref<256x256xf32, #tpu.memory_space<vmem>>, %arg3: memref<256x256xf32, #tpu.memory_space<vmem>>, %arg4: memref<256x256xf32, #tpu.memory_space<vmem>>, %arg5: memref<1x256xf32, #tpu.memory_space<vmem>>, %arg6: memref<1x256xf32, #tpu.memory_space<vmem>>, %arg7: memref<1x256xf32, #tpu.memory_space<vmem>>, %arg8: memref<512x512xf32, #tpu.memory_space<vmem>>, %arg9: memref<512x256xf32, #tpu.memory_space<vmem>>) attributes {dimension_semantics = [#tpu.dimension_semantics<arbitrary>], iteration_bounds = array<i64: 4>, scalar_prefetch = 0 : i64, scratch_operands = 0 : i64, tpu.core_type = #tpu.core_type<tc>, window_params = [{transform_indices = @transform_0, window_bounds = array<i64: 512, 512>}, {pipeline_mode = #tpu.pipeline_mode<synchronous>, transform_indices = @transform_1, window_bounds = array<i64: 256, 256>}, {pipeline_mode = #tpu.pipeline_mode<synchronous>, transform_indices = @transform_2, window_bounds = array<i64: 256, 256>}, {pipeline_mode = #tpu.pipeline_mode<synchronous>, transform_indices = @transform_3, window_bounds = array<i64: 256, 256>}, {pipeline_mode = #tpu.pipeline_mode<synchronous>, transform_indices = @transform_4, window_bounds = array<i64: 1, 256>}, {pipeline_mode = #tpu.pipeline_mode<synchronous>, transform_indices = @transform_5, window_bounds = array<i64: 1, 256>}, {pipeline_mode = #tpu.pipeline_mode<synchronous>, transform_indices = @transform_6, window_bounds = array<i64: 1, 256>}, {transform_indices = @transform_7, window_bounds = array<i64: 512, 512>}, {transform_indices = @transform_8, window_bounds = array<i64: 512, 256>}]} {
    %get3A = arith.constant 0 : index
    %get3A_0 = arith.constant 0 : index
    %get3A_1 = vector.load %arg1[%get3A, %get3A_0] : memref<512x512xf32, #tpu.memory_space<vmem>>, vector<512x512xf32>
    %slice3A = vector.extract_strided_slice %get3A_1 {offsets = [0, 0], sizes = [512, 256], strides = [1, 1]} : vector<512x512xf32> to vector<512x256xf32>
    %get3A_2 = arith.constant 0 : index
    %get3A_3 = arith.constant 0 : index
    %get3A_4 = vector.load %arg2[%get3A_2, %get3A_3] : memref<256x256xf32, #tpu.memory_space<vmem>>, vector<256x256xf32>
    %dot_general3A = arith.constant dense<0.000000e+00> : vector<512x256xf32>
    %dot_general3A_5 = tpu.matmul %slice3A, %get3A_4, %dot_general3A {dimension_numbers = #tpu.dot_dimension_numbers<[1], [0], [0], [1], [0, 0, 1, 1], [], []>, transpose_lhs_hint = false} : vector<512x256xf32>, vector<256x256xf32>, vector<512x256xf32> -> vector<512x256xf32>
    %get3A_6 = arith.constant 0 : index
    %get3A_7 = arith.constant 0 : index
    %get3A_8 = vector.load %arg5[%get3A_6, %get3A_7] : memref<1x256xf32, #tpu.memory_space<vmem>>, vector<1x256xf32>
    %add3A = vector.broadcast %get3A_8 : vector<1x256xf32> to vector<512x256xf32>
    %add3A_9 = arith.addf %dot_general3A_5, %add3A : vector<512x256xf32>
    %slice3A_10 = vector.extract_strided_slice %get3A_1 {offsets = [0, 256], sizes = [512, 256], strides = [1, 1]} : vector<512x512xf32> to vector<512x256xf32>
    %get3A_11 = arith.constant 0 : index
    %get3A_12 = arith.constant 0 : index
    %get3A_13 = vector.load %arg3[%get3A_11, %get3A_12] : memref<256x256xf32, #tpu.memory_space<vmem>>, vector<256x256xf32>
    %dot_general3A_14 = arith.constant dense<0.000000e+00> : vector<512x256xf32>
    %dot_general3A_15 = tpu.matmul %slice3A_10, %get3A_13, %dot_general3A_14 {dimension_numbers = #tpu.dot_dimension_numbers<[1], [0], [0], [1], [0, 0, 1, 1], [], []>, transpose_lhs_hint = false} : vector<512x256xf32>, vector<256x256xf32>, vector<512x256xf32> -> vector<512x256xf32>
    %get3A_16 = arith.constant 0 : index
    %get3A_17 = arith.constant 0 : index
    %get3A_18 = vector.load %arg6[%get3A_16, %get3A_17] : memref<1x256xf32, #tpu.memory_space<vmem>>, vector<1x256xf32>
    %add3A_19 = vector.broadcast %get3A_18 : vector<1x256xf32> to vector<512x256xf32>
    %add3A_20 = arith.addf %dot_general3A_15, %add3A_19 : vector<512x256xf32>
    %swap3A = arith.constant 0 : index
    %swap3A_21 = arith.constant 0 : index
    %swap3A_22 = vector.load %arg8[%swap3A, %swap3A_21] : memref<512x512xf32, #tpu.memory_space<vmem>>, vector<512x256xf32>
    tpu.vector_store %arg8[%swap3A, %swap3A_21], %add3A_9 {strides = array<i32>} : memref<512x512xf32, #tpu.memory_space<vmem>>, vector<512x256xf32>,
    %swap3A_23 = arith.constant 0 : index
    %swap3A_24 = arith.constant 256 : index
    %swap3A_25 = vector.load %arg8[%swap3A_23, %swap3A_24] : memref<512x512xf32, #tpu.memory_space<vmem>>, vector<512x256xf32>
    tpu.vector_store %arg8[%swap3A_23, %swap3A_24], %add3A_20 {strides = array<i32>} : memref<512x512xf32, #tpu.memory_space<vmem>>, vector<512x256xf32>,
    %get3A_26 = arith.constant 0 : index
    %get3A_27 = arith.constant 0 : index
    %get3A_28 = vector.load %arg4[%get3A_26, %get3A_27] : memref<256x256xf32, #tpu.memory_space<vmem>>, vector<256x256xf32>
    %dot_general3A_29 = arith.constant dense<0.000000e+00> : vector<512x256xf32>
    %dot_general3A_30 = tpu.matmul %add3A_20, %get3A_28, %dot_general3A_29 {dimension_numbers = #tpu.dot_dimension_numbers<[1], [0], [0], [1], [0, 0, 1, 1], [], []>, transpose_lhs_hint = false} : vector<512x256xf32>, vector<256x256xf32>, vector<512x256xf32> -> vector<512x256xf32>
    %get3A_31 = arith.constant 0 : index
    %get3A_32 = arith.constant 0 : index
    %get3A_33 = vector.load %arg7[%get3A_31, %get3A_32] : memref<1x256xf32, #tpu.memory_space<vmem>>, vector<1x256xf32>
    %add3A_34 = vector.broadcast %get3A_33 : vector<1x256xf32> to vector<512x256xf32>
    %add3A_35 = arith.addf %dot_general3A_30, %add3A_34 : vector<512x256xf32>
    %swap3A_36 = arith.constant 0 : index
    %swap3A_37 = arith.constant 0 : index
    %swap3A_38 = vector.load %arg9[%swap3A_36, %swap3A_37] : memref<512x256xf32, #tpu.memory_space<vmem>>, vector<512x256xf32>
    tpu.vector_store %arg9[%swap3A_36, %swap3A_37], %add3A_35 {strides = array<i32>} : memref<512x256xf32, #tpu.memory_space<vmem>>, vector<512x256xf32>,
    return
  }
  func.func @transform_0(%arg0: i32) -> (i32, i32) {
    %c0_i32 = arith.constant 0 : i32
    %c0_i32_0 = arith.constant 0 : i32
    return %arg0, %c0_i32 : i32, i32
  }
  func.func @transform_1(%arg0: i32) -> (i32, i32) {
    %c0_i32 = arith.constant 0 : i32
    %c0_i32_0 = arith.constant 0 : i32
    %c0_i32_1 = arith.constant 0 : i32
    return %c0_i32, %c0_i32_0 : i32, i32
  }
  func.func @transform_2(%arg0: i32) -> (i32, i32) {
    %c0_i32 = arith.constant 0 : i32
    %c0_i32_0 = arith.constant 0 : i32
    %c0_i32_1 = arith.constant 0 : i32
    return %c0_i32, %c0_i32_0 : i32, i32
  }
  func.func @transform_3(%arg0: i32) -> (i32, i32) {
    %c0_i32 = arith.constant 0 : i32
    %c0_i32_0 = arith.constant 0 : i32
    %c0_i32_1 = arith.constant 0 : i32
    return %c0_i32, %c0_i32_0 : i32, i32
  }
  func.func @transform_4(%arg0: i32) -> (i32, i32) {
    %c0_i32 = arith.constant 0 : i32
    %c0_i32_0 = arith.constant 0 : i32
    %c0_i32_1 = arith.constant 0 : i32
    return %c0_i32, %c0_i32_0 : i32, i32
  }
  func.func @transform_5(%arg0: i32) -> (i32, i32) {
    %c0_i32 = arith.constant 0 : i32
    %c0_i32_0 = arith.constant 0 : i32
    %c0_i32_1 = arith.constant 0 : i32
    return %c0_i32, %c0_i32_0 : i32, i32
  }
  func.func @transform_6(%arg0: i32) -> (i32, i32) {
    %c0_i32 = arith.constant 0 : i32
    %c0_i32_0 = arith.constant 0 : i32
    %c0_i32_1 = arith.constant 0 : i32
    return %c0_i32, %c0_i32_0 : i32, i32
  }
  func.func @transform_7(%arg0: i32) -> (i32, i32) {
    %c0_i32 = arith.constant 0 : i32
    %c0_i32_0 = arith.constant 0 : i32
    return %arg0, %c0_i32 : i32, i32
  }
  func.func @transform_8(%arg0: i32) -> (i32, i32) {
    %c0_i32 = arith.constant 0 : i32
    %c0_i32_0 = arith.constant 0 : i32
    return %arg0, %c0_i32 : i32, i32
  }
}

module attributes {stable_mosaic.version = 14 : i64} {
  func.func @_match_body(%arg0: i32, %arg1: memref<512x3xf32, #tpu.memory_space<vmem>>, %arg2: memref<512x3xf32, #tpu.memory_space<vmem>>, %arg3: memref<512x3xf32, #tpu.memory_space<vmem>>, %arg4: memref<3x2048xf32, #tpu.memory_space<vmem>>, %arg5: memref<1x2048xi32, #tpu.memory_space<vmem>>, %arg6: memref<1x2048xf32, #tpu.memory_space<vmem>>) attributes {dimension_semantics = [#tpu.dimension_semantics<arbitrary>], iteration_bounds = array<i64: 16>, scalar_prefetch = 0 : i64, scratch_operands = 0 : i64, tpu.core_type = #tpu.core_type<tc>, window_params = [{transform_indices = @transform_0, window_bounds = array<i64: 512, 3>}, {transform_indices = @transform_1, window_bounds = array<i64: 512, 3>}, {transform_indices = @transform_2, window_bounds = array<i64: 512, 3>}, {pipeline_mode = #tpu.pipeline_mode<synchronous>, transform_indices = @transform_3, window_bounds = array<i64: 3, 2048>}, {pipeline_mode = #tpu.pipeline_mode<synchronous>, transform_indices = @transform_4, window_bounds = array<i64: 1, 2048>}, {pipeline_mode = #tpu.pipeline_mode<synchronous>, transform_indices = @transform_5, window_bounds = array<i64: 1, 2048>}]} {
    %eq3A = arith.constant 0 : i32
    %eq3A_0 = arith.cmpi eq, %arg0, %eq3A : i32
    %convert_element_type3A = arith.extui %eq3A_0 : i1 to i32
    %cond3A = arith.constant 0 : i32
    %cond3A_1 = arith.cmpi ne, %convert_element_type3A, %cond3A : i32
    scf.if %cond3A_1 {
      %broadcast_in_dim3A_102 = arith.constant 9.99999995E+11 : f32
      %broadcast_in_dim3A_103 = vector.broadcast %broadcast_in_dim3A_102 : f32 to vector<1x2048xf32>
      %swap3A_104 = arith.constant 0 : index
      %swap3A_105 = arith.constant 0 : index
      %swap3A_106 = vector.load %arg6[%swap3A_104, %swap3A_105] : memref<1x2048xf32, #tpu.memory_space<vmem>>, vector<1x2048xf32>
      tpu.vector_store %arg6[%swap3A_104, %swap3A_105], %broadcast_in_dim3A_103 {strides = array<i32>} : memref<1x2048xf32, #tpu.memory_space<vmem>>, vector<1x2048xf32>,
      %broadcast_in_dim3A_107 = arith.constant -1 : i32
      %broadcast_in_dim3A_108 = vector.broadcast %broadcast_in_dim3A_107 : i32 to vector<1x2048xi32>
      %swap3A_109 = arith.constant 0 : index
      %swap3A_110 = arith.constant 0 : index
      %swap3A_111 = vector.load %arg5[%swap3A_109, %swap3A_110] : memref<1x2048xi32, #tpu.memory_space<vmem>>, vector<1x2048xi32>
      tpu.vector_store %arg5[%swap3A_109, %swap3A_110], %broadcast_in_dim3A_108 {strides = array<i32>} : memref<1x2048xi32, #tpu.memory_space<vmem>>, vector<1x2048xi32>,
    } else {
    }
    %get3A = arith.constant 0 : index
    %get3A_2 = arith.constant 0 : index
    %get3A_3 = vector.load %arg4[%get3A, %get3A_2] : memref<3x2048xf32, #tpu.memory_space<vmem>>, vector<1x2048xf32>
    %get3A_4 = arith.constant 1 : index
    %get3A_5 = arith.constant 0 : index
    %get3A_6 = vector.load %arg4[%get3A_4, %get3A_5] : memref<3x2048xf32, #tpu.memory_space<vmem>>, vector<1x2048xf32>
    %get3A_7 = arith.constant 2 : index
    %get3A_8 = arith.constant 0 : index
    %get3A_9 = vector.load %arg4[%get3A_7, %get3A_8] : memref<3x2048xf32, #tpu.memory_space<vmem>>, vector<1x2048xf32>
    %get3A_10 = arith.constant 0 : index
    %get3A_11 = arith.constant 0 : index
    %get3A_12 = vector.load %arg1[%get3A_10, %get3A_11] : memref<512x3xf32, #tpu.memory_space<vmem>>, vector<512x3xf32>
    %get3A_13 = arith.constant 0 : index
    %get3A_14 = arith.constant 0 : index
    %get3A_15 = vector.load %arg2[%get3A_13, %get3A_14] : memref<512x3xf32, #tpu.memory_space<vmem>>, vector<512x3xf32>
    %get3A_16 = arith.constant 0 : index
    %get3A_17 = arith.constant 0 : index
    %get3A_18 = vector.load %arg3[%get3A_16, %get3A_17] : memref<512x3xf32, #tpu.memory_space<vmem>>, vector<512x3xf32>
    %slice3A = vector.extract_strided_slice %get3A_18 {offsets = [0, 0], sizes = [512, 1], strides = [1, 1]} : vector<512x3xf32> to vector<512x1xf32>
    %slice3A_19 = vector.extract_strided_slice %get3A_18 {offsets = [0, 1], sizes = [512, 1], strides = [1, 1]} : vector<512x3xf32> to vector<512x1xf32>
    %max3A = arith.maximumf %slice3A, %slice3A_19 : vector<512x1xf32>
    %slice3A_20 = vector.extract_strided_slice %get3A_18 {offsets = [0, 2], sizes = [512, 1], strides = [1, 1]} : vector<512x3xf32> to vector<512x1xf32>
    %max3A_21 = arith.maximumf %max3A, %slice3A_20 : vector<512x1xf32>
    %ge3A = arith.constant 5.000000e-02 : f32
    %ge3A_22 = vector.broadcast %ge3A : f32 to vector<512x1xf32>
    %ge3A_23 = arith.cmpf oge, %max3A_21, %ge3A_22 : vector<512x1xf32>
    %slice3A_24 = vector.extract_strided_slice %get3A_12 {offsets = [0, 0], sizes = [512, 1], strides = [1, 1]} : vector<512x3xf32> to vector<512x1xf32>
    %mul3A = arith.constant 1.024000e+02 : f32
    %mul3A_25 = vector.broadcast %mul3A : f32 to vector<512x1xf32>
    %mul3A_26 = arith.mulf %slice3A_24, %mul3A_25 : vector<512x1xf32>
    %add3A = arith.constant -5.120000e+01 : f32
    %add3A_27 = vector.broadcast %add3A : f32 to vector<512x1xf32>
    %add3A_28 = arith.addf %mul3A_26, %add3A_27 : vector<512x1xf32>
    %sub3A = vector.broadcast %add3A_28 : vector<512x1xf32> to vector<512x2048xf32>
    %sub3A_29 = vector.broadcast %get3A_3 : vector<1x2048xf32> to vector<512x2048xf32>
    %sub3A_30 = arith.subf %sub3A, %sub3A_29 : vector<512x2048xf32>
    %slice3A_31 = vector.extract_strided_slice %get3A_12 {offsets = [0, 1], sizes = [512, 1], strides = [1, 1]} : vector<512x3xf32> to vector<512x1xf32>
    %mul3A_32 = arith.constant 1.024000e+02 : f32
    %mul3A_33 = vector.broadcast %mul3A_32 : f32 to vector<512x1xf32>
    %mul3A_34 = arith.mulf %slice3A_31, %mul3A_33 : vector<512x1xf32>
    %add3A_35 = arith.constant -5.120000e+01 : f32
    %add3A_36 = vector.broadcast %add3A_35 : f32 to vector<512x1xf32>
    %add3A_37 = arith.addf %mul3A_34, %add3A_36 : vector<512x1xf32>
    %sub3A_38 = vector.broadcast %add3A_37 : vector<512x1xf32> to vector<512x2048xf32>
    %sub3A_39 = vector.broadcast %get3A_6 : vector<1x2048xf32> to vector<512x2048xf32>
    %sub3A_40 = arith.subf %sub3A_38, %sub3A_39 : vector<512x2048xf32>
    %slice3A_41 = vector.extract_strided_slice %get3A_12 {offsets = [0, 2], sizes = [512, 1], strides = [1, 1]} : vector<512x3xf32> to vector<512x1xf32>
    %mul3A_42 = arith.constant 8.000000e+00 : f32
    %mul3A_43 = vector.broadcast %mul3A_42 : f32 to vector<512x1xf32>
    %mul3A_44 = arith.mulf %slice3A_41, %mul3A_43 : vector<512x1xf32>
    %add3A_45 = arith.constant -5.000000e+00 : f32
    %add3A_46 = vector.broadcast %add3A_45 : f32 to vector<512x1xf32>
    %add3A_47 = arith.addf %mul3A_44, %add3A_46 : vector<512x1xf32>
    %sub3A_48 = vector.broadcast %add3A_47 : vector<512x1xf32> to vector<512x2048xf32>
    %sub3A_49 = vector.broadcast %get3A_9 : vector<1x2048xf32> to vector<512x2048xf32>
    %sub3A_50 = arith.subf %sub3A_48, %sub3A_49 : vector<512x2048xf32>
    %abs3A = math.absf %sub3A_30 : vector<512x2048xf32>
    %slice3A_51 = vector.extract_strided_slice %get3A_15 {offsets = [0, 0], sizes = [512, 1], strides = [1, 1]} : vector<512x3xf32> to vector<512x1xf32>
    %jit3A = arith.constant -1.000000e+00 : f32
    %broadcast_in_dim3A = vector.broadcast %jit3A : f32 to vector<512x1xf32>
    %select_n3A = arith.select %ge3A_23, %slice3A_51, %broadcast_in_dim3A : vector<512x1xi1>, vector<512x1xf32>
    %le3A = vector.broadcast %select_n3A : vector<512x1xf32> to vector<512x2048xf32>
    %le3A_52 = arith.cmpf ole, %abs3A, %le3A : vector<512x2048xf32>
    %abs3A_53 = math.absf %sub3A_40 : vector<512x2048xf32>
    %slice3A_54 = vector.extract_strided_slice %get3A_15 {offsets = [0, 1], sizes = [512, 1], strides = [1, 1]} : vector<512x3xf32> to vector<512x1xf32>
    %le3A_55 = vector.broadcast %slice3A_54 : vector<512x1xf32> to vector<512x2048xf32>
    %le3A_56 = arith.cmpf ole, %abs3A_53, %le3A_55 : vector<512x2048xf32>
    %and3A = arith.andi %le3A_52, %le3A_56 : vector<512x2048xi1>
    %abs3A_57 = math.absf %sub3A_50 : vector<512x2048xf32>
    %slice3A_58 = vector.extract_strided_slice %get3A_15 {offsets = [0, 2], sizes = [512, 1], strides = [1, 1]} : vector<512x3xf32> to vector<512x1xf32>
    %le3A_59 = vector.broadcast %slice3A_58 : vector<512x1xf32> to vector<512x2048xf32>
    %le3A_60 = arith.cmpf ole, %abs3A_57, %le3A_59 : vector<512x2048xf32>
    %and3A_61 = arith.andi %and3A, %le3A_60 : vector<512x2048xi1>
    %mul3A_62 = arith.mulf %sub3A_30, %sub3A_30 : vector<512x2048xf32>
    %mul3A_63 = arith.mulf %sub3A_40, %sub3A_40 : vector<512x2048xf32>
    %add3A_64 = arith.addf %mul3A_62, %mul3A_63 : vector<512x2048xf32>
    %mul3A_65 = arith.mulf %sub3A_50, %sub3A_50 : vector<512x2048xf32>
    %add3A_66 = arith.addf %add3A_64, %mul3A_65 : vector<512x2048xf32>
    %jit3A_67 = arith.constant 9.99999995E+11 : f32
    %broadcast_in_dim3A_68 = vector.broadcast %jit3A_67 : f32 to vector<512x2048xf32>
    %select_n3A_69 = arith.select %and3A_61, %add3A_66, %broadcast_in_dim3A_68 : vector<512x2048xi1>, vector<512x2048xf32>
    %reduce_min3A = arith.constant dense<0x7F800000> : vector<2048xf32>
    %reduce_min3A_70 = vector.multi_reduction <minimumf>, %select_n3A_69, %reduce_min3A [0] : vector<512x2048xf32> to vector<2048xf32>
    %broadcast_in_dim3A_71 = vector.shape_cast %reduce_min3A_70 : vector<2048xf32> to vector<1x2048xf32>
    %iota3A = tpu.iota {dimensions = array<i32: 0>} : vector<512x2048xi32>
    %mul3A_72 = arith.constant 512 : i32
    %mul3A_73 = arith.muli %arg0, %mul3A_72 : i32
    %add3A_74 = vector.broadcast %mul3A_73 : i32 to vector<512x2048xi32>
    %add3A_75 = arith.addi %iota3A, %add3A_74 : vector<512x2048xi32>
    %eq3A_76 = vector.broadcast %broadcast_in_dim3A_71 : vector<1x2048xf32> to vector<512x2048xf32>
    %eq3A_77 = arith.cmpf oeq, %select_n3A_69, %eq3A_76 : vector<512x2048xf32>
    %jit3A_78 = arith.constant 1073741824 : i32
    %broadcast_in_dim3A_79 = vector.broadcast %jit3A_78 : i32 to vector<512x2048xi32>
    %select_n3A_80 = arith.select %eq3A_77, %add3A_75, %broadcast_in_dim3A_79 : vector<512x2048xi1>, vector<512x2048xi32>
    %reduce_min3A_81 = arith.constant dense<2147483647> : vector<2048xi32>
    %reduce_min3A_82 = vector.multi_reduction <minsi>, %select_n3A_80, %reduce_min3A_81 [0] : vector<512x2048xi32> to vector<2048xi32>
    %broadcast_in_dim3A_83 = vector.shape_cast %reduce_min3A_82 : vector<2048xi32> to vector<1x2048xi32>
    %get3A_84 = arith.constant 0 : index
    %get3A_85 = arith.constant 0 : index
    %get3A_86 = vector.load %arg6[%get3A_84, %get3A_85] : memref<1x2048xf32, #tpu.memory_space<vmem>>, vector<1x2048xf32>
    %lt3A = arith.cmpf olt, %broadcast_in_dim3A_71, %get3A_86 : vector<1x2048xf32>
    %select_n3A_87 = arith.select %lt3A, %broadcast_in_dim3A_71, %get3A_86 : vector<1x2048xi1>, vector<1x2048xf32>
    %swap3A = arith.constant 0 : index
    %swap3A_88 = arith.constant 0 : index
    %swap3A_89 = vector.load %arg6[%swap3A, %swap3A_88] : memref<1x2048xf32, #tpu.memory_space<vmem>>, vector<1x2048xf32>
    tpu.vector_store %arg6[%swap3A, %swap3A_88], %select_n3A_87 {strides = array<i32>} : memref<1x2048xf32, #tpu.memory_space<vmem>>, vector<1x2048xf32>,
    %get3A_90 = arith.constant 0 : index
    %get3A_91 = arith.constant 0 : index
    %get3A_92 = vector.load %arg5[%get3A_90, %get3A_91] : memref<1x2048xi32, #tpu.memory_space<vmem>>, vector<1x2048xi32>
    %select_n3A_93 = arith.select %lt3A, %broadcast_in_dim3A_83, %get3A_92 : vector<1x2048xi1>, vector<1x2048xi32>
    %swap3A_94 = arith.constant 0 : index
    %swap3A_95 = arith.constant 0 : index
    %swap3A_96 = vector.load %arg5[%swap3A_94, %swap3A_95] : memref<1x2048xi32, #tpu.memory_space<vmem>>, vector<1x2048xi32>
    tpu.vector_store %arg5[%swap3A_94, %swap3A_95], %select_n3A_93 {strides = array<i32>} : memref<1x2048xi32, #tpu.memory_space<vmem>>, vector<1x2048xi32>,
    %eq3A_97 = arith.constant 15 : i32
    %eq3A_98 = arith.cmpi eq, %arg0, %eq3A_97 : i32
    %convert_element_type3A_99 = arith.extui %eq3A_98 : i1 to i32
    %cond3A_100 = arith.constant 0 : i32
    %cond3A_101 = arith.cmpi ne, %convert_element_type3A_99, %cond3A_100 : i32
    scf.if %cond3A_101 {
      %get3A_102 = arith.constant 0 : index
      %get3A_103 = arith.constant 0 : index
      %get3A_104 = vector.load %arg6[%get3A_102, %get3A_103] : memref<1x2048xf32, #tpu.memory_space<vmem>>, vector<1x2048xf32>
      %lt3A_105 = arith.constant 1.000000e+10 : f32
      %lt3A_106 = vector.broadcast %lt3A_105 : f32 to vector<1x2048xf32>
      %lt3A_107 = arith.cmpf olt, %get3A_104, %lt3A_106 : vector<1x2048xf32>
      %get3A_108 = arith.constant 0 : index
      %get3A_109 = arith.constant 0 : index
      %get3A_110 = vector.load %arg5[%get3A_108, %get3A_109] : memref<1x2048xi32, #tpu.memory_space<vmem>>, vector<1x2048xi32>
      %jit3A_111 = arith.constant -1 : i32
      %broadcast_in_dim3A_112 = vector.broadcast %jit3A_111 : i32 to vector<1x2048xi32>
      %select_n3A_113 = arith.select %lt3A_107, %get3A_110, %broadcast_in_dim3A_112 : vector<1x2048xi1>, vector<1x2048xi32>
      %swap3A_114 = arith.constant 0 : index
      %swap3A_115 = arith.constant 0 : index
      %swap3A_116 = vector.load %arg5[%swap3A_114, %swap3A_115] : memref<1x2048xi32, #tpu.memory_space<vmem>>, vector<1x2048xi32>
      tpu.vector_store %arg5[%swap3A_114, %swap3A_115], %select_n3A_113 {strides = array<i32>} : memref<1x2048xi32, #tpu.memory_space<vmem>>, vector<1x2048xi32>,
    } else {
    }
    return
  }
  func.func @transform_0(%arg0: i32) -> (i32, i32) {
    %c0_i32 = arith.constant 0 : i32
    %c0_i32_0 = arith.constant 0 : i32
    return %arg0, %c0_i32 : i32, i32
  }
  func.func @transform_1(%arg0: i32) -> (i32, i32) {
    %c0_i32 = arith.constant 0 : i32
    %c0_i32_0 = arith.constant 0 : i32
    return %arg0, %c0_i32 : i32, i32
  }
  func.func @transform_2(%arg0: i32) -> (i32, i32) {
    %c0_i32 = arith.constant 0 : i32
    %c0_i32_0 = arith.constant 0 : i32
    return %arg0, %c0_i32 : i32, i32
  }
  func.func @transform_3(%arg0: i32) -> (i32, i32) {
    %c0_i32 = arith.constant 0 : i32
    %c0_i32_0 = arith.constant 0 : i32
    %c0_i32_1 = arith.constant 0 : i32
    return %c0_i32, %c0_i32_0 : i32, i32
  }
  func.func @transform_4(%arg0: i32) -> (i32, i32) {
    %c0_i32 = arith.constant 0 : i32
    %c0_i32_0 = arith.constant 0 : i32
    %c0_i32_1 = arith.constant 0 : i32
    return %c0_i32, %c0_i32_0 : i32, i32
  }
  func.func @transform_5(%arg0: i32) -> (i32, i32) {
    %c0_i32 = arith.constant 0 : i32
    %c0_i32_0 = arith.constant 0 : i32
    %c0_i32_1 = arith.constant 0 : i32
    return %c0_i32, %c0_i32_0 : i32, i32
  }
}

module attributes {stable_mosaic.version = 14 : i64} {
  func.func @_upd_body(%arg0: i32, %arg1: memref<256x1xi32, #tpu.memory_space<vmem>>, %arg2: memref<1x2048xi32, #tpu.memory_space<vmem>>, %arg3: memref<2048x256xf32, #tpu.memory_space<vmem>>, %arg4: memref<8192x512xf32, #tpu.memory_space<vmem>>, %arg5: memref<256x512xf32, #tpu.memory_space<vmem>>) attributes {dimension_semantics = [#tpu.dimension_semantics<arbitrary>], iteration_bounds = array<i64: 8>, scalar_prefetch = 0 : i64, scratch_operands = 0 : i64, tpu.core_type = #tpu.core_type<tc>, window_params = [{transform_indices = @transform_0, window_bounds = array<i64: 256, 1>}, {pipeline_mode = #tpu.pipeline_mode<synchronous>, transform_indices = @transform_1, window_bounds = array<i64: 1, 2048>}, {pipeline_mode = #tpu.pipeline_mode<synchronous>, transform_indices = @transform_2, window_bounds = array<i64: 2048, 256>}, {pipeline_mode = #tpu.pipeline_mode<synchronous>, transform_indices = @transform_3, window_bounds = array<i64: 8192, 512>}, {transform_indices = @transform_4, window_bounds = array<i64: 256, 512>}]} {
    %get3A = arith.constant 0 : index
    %get3A_0 = arith.constant 0 : index
    %get3A_1 = vector.load %arg1[%get3A, %get3A_0] : memref<256x1xi32, #tpu.memory_space<vmem>>, vector<256x1xi32>
    %get3A_2 = arith.constant 0 : index
    %get3A_3 = arith.constant 0 : index
    %get3A_4 = vector.load %arg2[%get3A_2, %get3A_3] : memref<1x2048xi32, #tpu.memory_space<vmem>>, vector<1x2048xi32>
    %eq3A = vector.broadcast %get3A_1 : vector<256x1xi32> to vector<256x2048xi32>
    %eq3A_5 = vector.broadcast %get3A_4 : vector<1x2048xi32> to vector<256x2048xi32>
    %eq3A_6 = arith.cmpi eq, %eq3A, %eq3A_5 : vector<256x2048xi32>
    %ge3A = arith.constant 0 : i32
    %ge3A_7 = vector.broadcast %ge3A : i32 to vector<256x1xi32>
    %ge3A_8 = arith.cmpi sge, %get3A_1, %ge3A_7 : vector<256x1xi32>
    %and3A = vector.broadcast %ge3A_8 : vector<256x1xi1> to vector<256x2048xi1>
    %and3A_9 = arith.andi %eq3A_6, %and3A : vector<256x2048xi1>
    %convert_element_type3A = arith.extui %and3A_9 : vector<256x2048xi1> to vector<256x2048xi32>
    %convert_element_type3A_10 = arith.sitofp %convert_element_type3A : vector<256x2048xi32> to vector<256x2048xf32>
    %get3A_11 = arith.constant 0 : index
    %get3A_12 = arith.constant 0 : index
    %get3A_13 = vector.load %arg3[%get3A_11, %get3A_12] : memref<2048x256xf32, #tpu.memory_space<vmem>>, vector<2048x256xf32>
    %dot_general3A = arith.constant dense<0.000000e+00> : vector<256x256xf32>
    %dot_general3A_14 = tpu.matmul %convert_element_type3A_10, %get3A_13, %dot_general3A {dimension_numbers = #tpu.dot_dimension_numbers<[1], [0], [0], [1], [0, 0, 1, 1], [], []>, transpose_lhs_hint = false} : vector<256x2048xf32>, vector<2048x256xf32>, vector<256x256xf32> -> vector<256x256xf32>
    %iota3A = tpu.iota {dimensions = array<i32: 1>} : vector<256x8192xi32>
    %eq3A_15 = vector.broadcast %get3A_1 : vector<256x1xi32> to vector<256x8192xi32>
    %eq3A_16 = arith.cmpi eq, %eq3A_15, %iota3A : vector<256x8192xi32>
    %convert_element_type3A_17 = arith.extui %eq3A_16 : vector<256x8192xi1> to vector<256x8192xi32>
    %convert_element_type3A_18 = arith.sitofp %convert_element_type3A_17 : vector<256x8192xi32> to vector<256x8192xf32>
    %get3A_19 = arith.constant 0 : index
    %get3A_20 = arith.constant 0 : index
    %get3A_21 = vector.load %arg4[%get3A_19, %get3A_20] : memref<8192x512xf32, #tpu.memory_space<vmem>>, vector<8192x512xf32>
    %dot_general3A_22 = arith.constant dense<0.000000e+00> : vector<256x512xf32>
    %dot_general3A_23 = tpu.matmul %convert_element_type3A_18, %get3A_21, %dot_general3A_22 {dimension_numbers = #tpu.dot_dimension_numbers<[1], [0], [0], [1], [0, 0, 1, 1], [], []>, transpose_lhs_hint = false} : vector<256x8192xf32>, vector<8192x512xf32>, vector<256x512xf32> -> vector<256x512xf32>
    %slice3A = vector.extract_strided_slice %dot_general3A_23 {offsets = [0, 0], sizes = [256, 256], strides = [1, 1]} : vector<256x512xf32> to vector<256x256xf32>
    %swap3A = arith.constant 0 : index
    %swap3A_24 = arith.constant 0 : index
    %swap3A_25 = vector.load %arg5[%swap3A, %swap3A_24] : memref<256x512xf32, #tpu.memory_space<vmem>>, vector<256x256xf32>
    tpu.vector_store %arg5[%swap3A, %swap3A_24], %slice3A {strides = array<i32>} : memref<256x512xf32, #tpu.memory_space<vmem>>, vector<256x256xf32>,
    %slice3A_26 = vector.extract_strided_slice %dot_general3A_23 {offsets = [0, 256], sizes = [256, 256], strides = [1, 1]} : vector<256x512xf32> to vector<256x256xf32>
    %add3A = arith.addf %slice3A_26, %dot_general3A_14 : vector<256x256xf32>
    %swap3A_27 = arith.constant 0 : index
    %swap3A_28 = arith.constant 256 : index
    %swap3A_29 = vector.load %arg5[%swap3A_27, %swap3A_28] : memref<256x512xf32, #tpu.memory_space<vmem>>, vector<256x256xf32>
    tpu.vector_store %arg5[%swap3A_27, %swap3A_28], %add3A {strides = array<i32>} : memref<256x512xf32, #tpu.memory_space<vmem>>, vector<256x256xf32>,
    return
  }
  func.func @transform_0(%arg0: i32) -> (i32, i32) {
    %c0_i32 = arith.constant 0 : i32
    %c0_i32_0 = arith.constant 0 : i32
    return %arg0, %c0_i32 : i32, i32
  }
  func.func @transform_1(%arg0: i32) -> (i32, i32) {
    %c0_i32 = arith.constant 0 : i32
    %c0_i32_0 = arith.constant 0 : i32
    %c0_i32_1 = arith.constant 0 : i32
    return %c0_i32, %c0_i32_0 : i32, i32
  }
  func.func @transform_2(%arg0: i32) -> (i32, i32) {
    %c0_i32 = arith.constant 0 : i32
    %c0_i32_0 = arith.constant 0 : i32
    %c0_i32_1 = arith.constant 0 : i32
    return %c0_i32, %c0_i32_0 : i32, i32
  }
  func.func @transform_3(%arg0: i32) -> (i32, i32) {
    %c0_i32 = arith.constant 0 : i32
    %c0_i32_0 = arith.constant 0 : i32
    %c0_i32_1 = arith.constant 0 : i32
    return %c0_i32, %c0_i32_0 : i32, i32
  }
  func.func @transform_4(%arg0: i32) -> (i32, i32) {
    %c0_i32 = arith.constant 0 : i32
    %c0_i32_0 = arith.constant 0 : i32
    return %arg0, %c0_i32 : i32, i32
  }
}

</mosaic_0001>

<sc_bundles>
// kernel: kernel.6.cloned.1.call-start
scs
__scs_entry_jumppad:
0x0: {  	(pc) =	sbr.rel $0x88, $3  }
0x1: {  	(tag) =	ssettag $0x0;
	lr =	simm.s32 $0x1  }
0x2: {  	[smem:$0x3F94] =	sst lr;
	_ =	strace $0xD0000000  }
0x3: {  	_ = 	snop  }
0x4: {  	_ = 	snop  }
0x5: {  	_ = 	snop  }
0x6: {  	_ = 	snop  }
0x7: {  	_ = 	snop  }
__scs_overlays_trampoline_lowered:
0x8: {  	[smem:$0x3FA3] =	sst s0  }
0x9: {  	[smem:$0x3FA4] =	sst s1  }
0xa: {  	[smem:$0x3FA5] =	sst s2  }
0xb: {  	[smem:$0x3FA6] =	sst s3  }
0xc: {  	[smem:$0x3FA7] =	sst s4  }
0xd: {  	[smem:$0x3FA8] =	sst s5  }
0xe: {  	[smem:$0x3FA9] =	sst s6  }
0xf: {  	[smem:$0x3FAA] =	sst s7  }
0x10: {  	[smem:$0x3FAB] =	sst s8  }
0x11: {  	[smem:$0x3FAC] =	sst s9;
	s0 =	simm.s32 @!p0 $0x0  }
0x12: {  	s1 =	sld [smem:$0x3F92];
	s0 =	simm.s32 @p0 $0x1  }
0x13: {  	[smem:$0x3FAD] =	sst s0;
	s0 =	simm.s32 @!p1 $0x0  }
0x14: {  	s2 =	sld [smem:$0x3F91];
	s0 =	simm.s32 @p1 $0x1  }
0x15: {  	[smem:$0x3FAE] =	sst s0;
	s0 =	simm.s32 @!p2 $0x0  }
0x16: {  	s3 =	sld [smem:$0x3FDB];
	s0 =	simm.s32 @p2 $0x1  }
0x17: {  	s4 =	simm.s32 $0x1BF5;
	[smem:$0x3FB0] =	sst s0  }
0x18: {  	s0 =	sld [smem:$0x3F93];
	_ =	swait.ge [sflag:s4], $0x0  }
0x19: {  	s7 =	sld [smem:$0x3F94]  }
0x1a: {  	s8 =	sadd.s32 $0xFFFFE003, lr  }
0x1b: {  	s9 =	sadd.s32 $0xFFFFFEF7, lr;
	s5 =	simm.s32 $0xFFFFFFFF;
	p2 =	slt.u32 s8, $0xFFFFF086  }
0x1c: {  	p1 =	slt.u32 s9, $0xF7A;
	s5 =	simm.s32 @!p2 $0x0  }
0x1d: {  	s5 =	simm.s32 @p1 $0x1;
	p0 =	seq.s32 s7, s2  }
0x1e: {  	s7 =	smul.u32 @!p0 $0xF7A, s2;
	p2 =	seq.s32 @!p0 s5, $0x0  }
0x1f: {  	s9 =	smul.u32 $0xF7A, s1;
	s8 =	simm.s32 @!p0 $0x1BF5;
	p2 =	por !p2, p0  }
0x20: {  	[sflag:s8] =	ssyncset.s32 @!p0 $0xFFFFF086;
	s6 =	sadd.s32 @!p0 s3, s7;
	s7 =	simm.s32 @!p0 $0x108  }
0x21: {  	s3 =	sadd.s32 s3, s9;
	s6 =	sadd.s32 @!p0 $0x88, s6;
	s7 =	simm.s32 @p2 $0x1082  }
0x22: {  	[simem:s7], [sflag:s8] =	dma.local @!p0 [hbm:s6], $0xF7A  }
0x23: {  	s9 =	sor.u32 $0xD0000000, s2;
	s6 =	simm.s32 $0x108;
	_ =	swait.ge @!p0 [sflag:s8], $0x0  }
0x24: {  	s3 =	sadd.s32 $0x88, s3;
	s6 =	simm.s32 @!p1 $0x1082;
	[sflag:s4] =	ssyncset.s32 $0xFFFFF086  }
0x25: {  	[simem:s6], [sflag:s4] =	dma.local [hbm:s3], $0xF7A  }
0x26: {  	[smem:$0x3F94] =	sst s1;
	(tag) =	ssettag s2;
	_ =	strace s9  }
0x27: {  	s1 =	sld [smem:$0x3FA4]  }
0x28: {  	s2 =	sld [smem:$0x3FA5]  }
0x29: {  	s4 =	sld [smem:$0x3FA7]  }
0x2a: {  	p0 =	seq.s32 s5, $0x0;
	s5 =	sld [smem:$0x3FA8]  }
0x2b: {  	s6 =	sld [smem:$0x3FA9]  }
0x2c: {  	s7 =	sld [smem:$0x3FAA]  }
0x2d: {  	s3 =	simm.s32 $0x108;
	s8 =	sld [smem:$0x3FAB]  }
0x2e: {  	s3 =	simm.s32 @!p0 $0x1082;
	s9 =	sld [smem:$0x3FAC]  }
0x2f: {  	lr =	sadd.s32 s0, s3;
	s0 =	sld [smem:$0x3FA3]  }
0x30: {  	s3 =	sld [smem:$0x3FA6]  }
0x31: {  	[smem:$0x3FAF] =	sst s10  }
0x32: {  	s10 =	sld [smem:$0x3FAD];
	_ =	sdelay $0x3  }
0x33: {  	p0 =	seq.s32 s10, $0x1;
	s10 =	sld [smem:$0x3FAF];
	_ =	sdelay $0x3  }
0x34: {  	[smem:$0x3FAF] =	sst s10  }
0x35: {  	s10 =	sld [smem:$0x3FAE];
	_ =	sdelay $0x3  }
0x36: {  	p1 =	seq.s32 s10, $0x1;
	s10 =	sld [smem:$0x3FAF];
	_ =	sdelay $0x3  }
0x37: {  	[smem:$0x3FAF] =	sst s10  }
0x38: {  	s10 =	sld [smem:$0x3FB0]  }
0x39: {  	_ = 	snop;
	(pc) =	sbr.ind lr, $3  }
0x3a: {  	_ = 	snop  }
0x3b: {  	_ = 	snop  }
0x3c: {  	p2 =	seq.s32 s10, $0x1;
	s10 =	sld [smem:$0x3FAF]  }
0x3d: {  	_ =	shalt  }
0x3e: {  	_ =	shalt  }
0x3f: {  	_ =	shalt  }
0x40: {  	_ =	shalt  }
0x41: {  	_ =	shalt  }
0x42: {  	_ =	shalt  }
0x43: {  	_ =	shalt  }
0x44: {  	_ =	shalt  }
0x45: {  	_ =	shalt  }
0x46: {  	_ =	shalt  }
0x47: {  	_ =	shalt  }
0x48: {  	_ =	shalt  }
0x49: {  	_ =	shalt  }
0x4a: {  	_ =	shalt  }
0x4b: {  	_ =	shalt  }
0x4c: {  	_ =	shalt  }
0x4d: {  	_ =	shalt  }
0x4e: {  	_ =	shalt  }
0x4f: {  	_ =	shalt  }
0x50: {  	_ =	shalt  }
0x51: {  	_ =	shalt  }
0x52: {  	_ =	shalt  }
0x53: {  	_ =	shalt  }
0x54: {  	_ =	shalt  }
0x55: {  	_ =	shalt  }
0x56: {  	_ =	shalt  }
0x57: {  	_ =	shalt  }
0x58: {  	_ =	shalt  }
0x59: {  	_ =	shalt  }
0x5a: {  	_ =	shalt  }
0x5b: {  	_ =	shalt  }
0x5c: {  	_ =	shalt  }
0x5d: {  	_ =	shalt  }
0x5e: {  	_ =	shalt  }
0x5f: {  	_ =	shalt  }
0x60: {  	_ =	shalt  }
0x61: {  	_ =	shalt  }
0x62: {  	_ =	shalt  }
0x63: {  	_ =	shalt  }
0x64: {  	_ =	shalt  }
0x65: {  	_ =	shalt  }
0x66: {  	_ =	shalt  }
0x67: {  	_ =	shalt  }
0x68: {  	_ =	shalt  }
0x69: {  	_ =	shalt  }
0x6a: {  	_ =	shalt  }
0x6b: {  	_ =	shalt  }
0x6c: {  	_ =	shalt  }
0x6d: {  	_ =	shalt  }
0x6e: {  	_ =	shalt  }
0x6f: {  	_ =	shalt  }
0x70: {  	_ =	shalt  }
0x71: {  	_ =	shalt  }
0x72: {  	_ =	shalt  }
0x73: {  	_ =	shalt  }
0x74: {  	_ =	shalt  }
0x75: {  	_ =	shalt  }
0x76: {  	_ =	shalt  }
0x77: {  	_ =	shalt  }
0x78: {  	_ =	shalt  }
0x79: {  	_ =	shalt  }
0x7a: {  	_ =	shalt  }
0x7b: {  	_ =	shalt  }
0x7c: {  	_ =	shalt  }
0x7d: {  	_ =	shalt  }
0x7e: {  	_ =	shalt  }
0x7f: {  	_ =	shalt  }
0x80: {  	_ =	shalt  }
0x81: {  	_ =	shalt  }
0x82: {  	_ =	shalt  }
0x83: {  	_ =	shalt  }
0x84: {  	_ =	shalt  }
0x85: {  	_ =	shalt  }
0x86: {  	_ =	shalt  }
0x87: {  	_ =	shalt  }
.Lfunc_end0:
.L_simem_size_0:
called_computation_lowered:
.L_overlay_start_0:
0x88: {  	s2 =	sld [smem:$0x3FD9]  }
0x89: {  	s3 =	sld [smem:$0x3FFE];
	_ =	sdelay $0x1  }
0x8a: {  	s1 =	srdreg.scid  }
0x8b: {  	s0 =	sand.u32 $0x1, s1  }
0x8c: {  	s14 =	sshll.u32 s0, $0xA;
	s2 =	sadd.s32 s3, s2  }
0x8d: {  	s2 =	sadd.s32 s2, s14  }
0x8e: {  	[smem:$0x3FBB] =	sst s2  }
0x8f: {  	_ = 	snop  }
0x90: {  	s2 =	sld [smem:$0x3FD0];
	_ =	sdelay $0x2  }
0x91: {  	s4 =	simm.s32 $0xA;
	s5 =	simm.s32 $0x10;
	s15 =	sld [smem:$0x3FC7]  }
0x92: {  	[smem:s5], [sflag:s4] =	dma.local [hbm:s2], $0x1  }
0x93: {  	_ =	swait.eq [sflag:s4], $0x1  }
0x94: {  	[sflag:s4] =	ssyncset.done $0x0  }
0x95: {  	[sflag:s4] =	ssyncadd.s32 $0xFFFFFFFF  }
0x96: {  	s16 =	sld [smem:$0x10];
	(tm) =	ssettm $0x1  }
0x97: {  	s17 =	sld [smem:$0x3FFB];
	_ =	sdelay $0x3  }
0x98: {  	_ =	strace s17  }
0x99: {  	s4 =	sld [smem:$0x3FFC];
	_ =	sdelay $0x3  }
0x9a: {  	_ =	strace s4  }
0x9b: {  	s4 =	sld [smem:$0x3FFD];
	_ =	sdelay $0x3  }
0x9c: {  	_ =	strace s4  }
0x9d: {  	_ =	strace $0x8FFFFFFF  }
0x9e: {  	s18 =	sld [smem:$0x3FDB];
	_ =	sdelay $0x1  }
0x9f: {  	s19 =	simm.s32 $_scs_section_size  }
0xa0: {  	s6 =	simm.s32 $_size__tile_overlayer_lowered;
	s7 =	simm.s32 $_tile_overlayer_lowered  }
0xa1: {  	s22 =	simm.s32 $0x1BFF;
	s21 =	sshll.u32 s7, $0x1;
	s4 =	sadd.s32 s19, s18  }
0xa2: {  	s8 =	simm.s32 $0x0;
	s20 =	sshll.u32 s6, $0x1;
	s6 =	sadd.s32 s21, s4  }
0xa3: {  	[timem:s8], [sflag:s22] =	dma.local [hbm:s6], s20  }
0xa4: {  	_ =	swait.ge [sflag:s22], s20  }
0xa5: {  	s5 =	ssub.s32 $0x0, s20;
	[sflag:s22] =	ssyncset.done $0x0  }
0xa6: {  	[sflag:s22] =	ssyncadd.s32 s5;
	_ =	sdelay $0x1  }
0xa7: {  	s23 =	simm.s32 $0x1B8B  }
0xa8: {  	_ =	swait.ge [sflag:s23], $0x1  }
0xa9: {  	[sflag:s23] =	ssyncset.done $0x0  }
0xaa: {  	s25 =	simm.s32 $0x1B8E;
	s24 =	sld [smem:$0x3FFE];
	[sflag:s23] =	ssyncadd.s32 $0xFFFFFFFF  }
0xab: {  	s26 =	simm.s32 $execute0_lowered;
	[smem:$0x3FD2] =	sst s25  }
0xac: {  	s6 =	sshll.u32 s26, $0x1;
	_ =	strace $0x80000046;
	[dreg:$0x1] =	wrdreg $0xFFFFFFFF  }
0xad: {  	s28 =	simm.s32 $_size_execute0_lowered;
	s4 =	sadd.s32 s4, s6;
	[dreg:$0x0] =	wrdreg $0x0  }
0xae: {  	s6 =	sshll.u32 s28, $0x1;
	[dreg:$0x2] =	wrdreg s4  }
0xaf: {  	[dreg:$0x3] =	wrdreg s6  }
0xb0: {  	[dreg:$0x4] =	wrdreg $0xC0  }
0xb1: {  	_ =	task [dreg:s8], $0x5FFFF  }
0xb2: {  	[dreg:$0x1] =	wrdreg $0xFFFFFFFF  }
0xb3: {  	[dreg:$0x0] =	wrdreg $0x60  }
0xb4: {  	[dreg:$0x2] =	wrdreg s15  }
0xb5: {  	[dreg:$0x3] =	wrdreg s24  }
0xb6: {  	[dreg:$0x4] =	wrdreg s16  }
0xb7: {  	[dreg:$0x5] =	wrdreg $0x9  }
0xb8: {  	_ =	task.clear_ibuf [dreg:s8], $0x6FFFF;
	_ =	strace $0x90000046  }
0xb9: {  	s29 =	simm.s32 $0x9;
	_ =	strace $0x80000048  }
0xba: {  	_ =	swait.ge [sflag:s29], $0x1  }
0xbb: {  	[sflag:s29] =	ssyncadd.s32 $0xFFFFFFFF  }
0xbc: {  	_ =	strace $0x90000048  }
0xbd: {  	_ =	sfence  }
0xbe: {  	s30 =	sld [smem:$0x0];
	_ =	sdelay $0x2  }
0xbf: {  	s31 =	sshll.u32 s1, $0xD;
	s1 =	sshrl.u32 s1, $0x2  }
0xc0: {  	s3 =	sand.u32 $0x4000, s31;
	s1 =	sadd.s32 s1, s30  }
0xc1: {  	s0 =	sor.u32 s3, s0;
	s1 =	sshll.u32 s1, $0x11  }
0xc2: {  	s0 =	sor.u32 s1, s0  }
0xc3: {  	s0 =	sadd.s32 $0x8F2B, s0  }
0xc4: {  	[sflag:s0] =	ssyncadd.remote.s32 $0x1  }
0xc5: {  	_ =	sfence.sel $0xFFFF  }
0xc6: {  	[dreg:$0x0] =	wrdreg $0xFFFFFFFF;
	(pc) =	sbr.abs _section_cstart, $3  }
0xc7: {  	[dreg:$0x1] =	wrdreg $0xFFFFFFFF  }
0xc8: {  	_ =	task.clear_ibuf [dreg:s8], $0x2FFFF;
	_ =	strace $0x9FFFFFFF  }
0xc9: {  	(tm) =	ssettm $0x7FFFFFFF  }
tec
execute0_lowered:
.L_overlay_start_1:
0x0: {  	(tag) =	ssettag $0x1  }
0x1: {  	s0 =	rddreg [dreg:$0x0]  }
0x2: {  	s5 =	rddreg [dreg:$0x1]  }
0x3: {  	s4 =	rddreg [dreg:$0x2]  }
0x4: {  	s2 =	srdreg.scid;
	s1 =	stileid.u32;
	s12 =	simm.s32 $0x980  }
0x5: {  	s13 =	simm.s32 $0x1180;
	s14 =	simm.s32 $0x1980;
	s15 =	simm.s32 $0x2180  }
0x6: {  	s16 =	simm.s32 $0x2980;
	s17 =	simm.s32 $0x3180;
	s18 =	simm.s32 $0x3980  }
0x7: {  	s28 =	simm.s32 $0xD980;
	s6 =	sand.u32 $0x1, s2;
	s2 =	simm.s32 $0x0  }
0x8: {  	s29 =	simm.s32 $0xE180;
	s30 =	simm.s32 $0xE980;
	[smem:$0x7FF] =	sst s2  }
0x9: {  	s31 =	simm.s32 $0xF180;
	_ =	strace $0x80000047;
	[dreg:$0xe] =	wrdreg s12  }
0xa: {  	s3 =	sshll.u32 s1, $0xE;
	s10 =	sshll.u32 s1, $0x4;
	[dreg:$0xf] =	wrdreg s13  }
0xb: {  	s1 =	sshll.u32 s1, $0xD;
	s7 =	sshll.u32 s6, $0x12;
	[dreg:$0x10] =	wrdreg s14  }
0xc: {  	s25 =	sadd.s32 s10, s5;
	s4 =	sadd.s32 s4, s1;
	[dreg:$0x11] =	wrdreg s15  }
0xd: {  	s7 =	sor.u32 s7, s3;
	s3 =	sadd.s32 $0x2200, s5;
	[dreg:$0x12] =	wrdreg s16  }
0xe: {  	s10 =	sadd.s32 $0x1000, s4;
	s5 =	sadd.s32 $0x2300, s5;
	[dreg:$0x13] =	wrdreg s17  }
0xf: {  	[dreg:$0x14] =	wrdreg s18;
	s12 =	simm.s32 $0x4;
	s13 =	simm.s32 $0x5  }
0x10: {  	s15 =	simm.s32 $0x7180;
	s16 =	simm.s32 $0x7980;
	s17 =	simm.s32 $0x8980  }
0x11: {  	s18 =	simm.s32 $0x9180;
	s8 =	sadd.s32 s0, s7;
	[dreg:$0xd] =	wrdreg s10  }
0x12: {  	s19 =	sadd.s32 s3, s7;
	s9 =	sor.u32 $0x1000, s7;
	[dreg:$0x4] =	wrdreg s8  }
0x13: {  	s22 =	sor.u32 $0x2000, s7;
	[dreg:$0x5] =	wrdreg s19;
	s20 =	sadd.s32 s0, s9  }
0x14: {  	s7 =	sor.u32 $0x3000, s7;
	s21 =	sadd.s32 s3, s9;
	[dreg:$0x6] =	wrdreg s20  }
0x15: {  	s10 =	simm.s32 $0x2;
	s23 =	sadd.s32 s0, s22;
	[dreg:$0x7] =	wrdreg s21  }
0x16: {  	s24 =	sadd.s32 s3, s22;
	s0 =	sadd.s32 s0, s7;
	[dreg:$0x8] =	wrdreg s23  }
0x17: {  	s26 =	sadd.s32 s3, s7;
	s8 =	sadd.s32 $0x2000, s25;
	[dreg:$0x9] =	wrdreg s24  }
0x18: {  	s9 =	ssub.s32 $0x2, s6;
	s19 =	simm.s32 $0x4180;
	[dreg:$0xa] =	wrdreg s0  }
0x19: {  	s22 =	simm.s32 $0x5980;
	s25 =	simm.s32 $0x6180;
	[dreg:$0xb] =	wrdreg s26  }
0x1a: {  	[dreg:$0xc] =	wrdreg s8;
	s11 =	sshrl.u32 s9, $0x1;
	s23 =	sshll.u32 s6, $0xC  }
0x1b: {  	s26 =	sor.u32 $0x2000, s6;
	s8 =	simm.s32 $0x1;
	[dreg:$0x15] =	wrdreg s19  }
0x1c: {  	s20 =	simm.s32 $0x4980;
	s21 =	simm.s32 $0x5180;
	[dreg:$0x18] =	wrdreg s22  }
0x1d: {  	[dreg:$0x19] =	wrdreg s25;
	s19 =	simm.s32 $0x9980;
	s22 =	simm.s32 $0xB180  }
0x1e: {  	s25 =	simm.s32 $0xC980;
	s0 =	simm.s32 $0xF980;
	s7 =	ssub.s32 s9, s11  }
0x1f: {  	v5 =	vlaneseq.u32;
	s24 =	sadd.s32 $0x1000, s23;
	s9 =	simm.s32 $0x8180;
	[dreg:$0x16] =	wrdreg s20  }
0x20: {  	vm0 =	vmmov $0xffff;
	v3 =	vand.u32 $0x7, v5;
	[dreg:$0x17] =	wrdreg s21;
	s11 =	simm.s32 $0x3;
	s20 =	simm.s32 $0xA180  }
0x21: {  	v4 =	vshrl.u32 v5, $0x3;
	s21 =	simm.s32 $0xA980;
	v0 =	vmov s23;
	s23 =	simm.s32 $0xB980;
	v2 =	vmov s26;
	s26 =	simm.s32 $0xD180  }
0x22: {  	v5 =	vor.u32 $0x8, v5;
	v4 =	vmul.u32 $0x8, v4;
	s6 =	smax.u32 s7, $0x1;
	s7 =	simm.s32 $0x180;
	v1 =	vmov s24;
	s24 =	simm.s32 $0xC180  }
.LBB2_1:
0x23: {  	s1 =	rddreg [dreg:$0x4]  }
0x24: {  	[tilespmem:s7], [sflag:$0x1] =	stream.linear.gather [hbm4b:s1+s2], $0x8000, $0x38;
	[tilespmem:$0x10180] =	vst v63  }
0x25: {  	_ =	swait.ge [sflag:s8], $0x8000  }
0x26: {  	[sflag:s8] =	ssyncset.done $0x0  }
0x27: {  	s1 =	rddreg [dreg:$0x5];
	[sflag:s8] =	ssyncadd.s32 $0xFFFF8000  }
0x28: {  	[hbm4b:s1+s2] =	stream.linear.scatter [tilespmem:s7], [sflag:$0x3], $0x8000, $0x38;
	[tilespmem:$0x10180] =	vst v63  }
0x29: {  	s14 =	rddreg [dreg:$0x6]  }
0x2a: {  	[tilespmem:s9], [sflag:$0x2] =	stream.linear.gather [hbm4b:s14+s2], $0x8000, $0x38;
	[tilespmem:$0x10180] =	vst v63  }
0x2b: {  	_ =	swait.ge [sflag:s10], $0x8000  }
0x2c: {  	[sflag:s10] =	ssyncset.done $0x0  }
0x2d: {  	s14 =	rddreg [dreg:$0x7];
	[sflag:s10] =	ssyncadd.s32 $0xFFFF8000  }
0x2e: {  	[hbm4b:s14+s2] =	stream.linear.scatter [tilespmem:s9], [sflag:$0x4], $0x8000, $0x38;
	[tilespmem:$0x10180] =	vst v63  }
0x2f: {  	_ =	swait.ge [sflag:s11], $0x8000  }
0x30: {  	[sflag:s11] =	ssyncset.done $0x0  }
0x31: {  	s14 =	rddreg [dreg:$0x8];
	[sflag:s11] =	ssyncadd.s32 $0xFFFF8000  }
0x32: {  	[tilespmem:s7], [sflag:$0x1] =	stream.linear.gather [hbm4b:s14+s2], $0x8000, $0x38;
	[tilespmem:$0x10180] =	vst v63  }
0x33: {  	_ =	swait.ge [sflag:s8], $0x8000  }
0x34: {  	[sflag:s8] =	ssyncset.done $0x0  }
0x35: {  	s14 =	rddreg [dreg:$0x9];
	[sflag:s8] =	ssyncadd.s32 $0xFFFF8000  }
0x36: {  	[hbm4b:s14+s2] =	stream.linear.scatter [tilespmem:s7], [sflag:$0x3], $0x8000, $0x38;
	[tilespmem:$0x10180] =	vst v63  }
0x37: {  	_ =	swait.ge [sflag:s12], $0x8000  }
0x38: {  	[sflag:s12] =	ssyncset.done $0x0  }
0x39: {  	s14 =	rddreg [dreg:$0xa];
	[sflag:s12] =	ssyncadd.s32 $0xFFFF8000  }
0x3a: {  	[tilespmem:s9], [sflag:$0x2] =	stream.linear.gather [hbm4b:s14+s2], $0x8000, $0x38;
	[tilespmem:$0x10180] =	vst v63  }
0x3b: {  	_ =	swait.ge [sflag:s10], $0x8000  }
0x3c: {  	[sflag:s10] =	ssyncset.done $0x0  }
0x3d: {  	s14 =	rddreg [dreg:$0xb];
	[sflag:s10] =	ssyncadd.s32 $0xFFFF8000  }
0x3e: {  	[hbm4b:s14+s2] =	stream.linear.scatter [tilespmem:s9], [sflag:$0x4], $0x8000, $0x38;
	[tilespmem:$0x10180] =	vst v63  }
0x3f: {  	_ =	swait.ge [sflag:s11], $0x8000  }
0x40: {  	[sflag:s11] =	ssyncset.done $0x0  }
0x41: {  	[sflag:s11] =	ssyncadd.s32 $0xFFFF8000  }
0x42: {  	_ =	swait.ge [sflag:s12], $0x8000  }
0x43: {  	[sflag:s12] =	ssyncset.done $0x0  }
0x44: {  	s14 =	rddreg [dreg:$0xc];
	[sflag:s12] =	ssyncadd.s32 $0xFFFF8000  }
0x45: {  	[tilespmem:s2], [sflag:$0x5] =	stream.linear.gather [hbm4b:s14+s2], $0x80, $0x38;
	[tilespmem:$0x10180] =	vst v63  }
0x46: {  	_ =	swait.ge [sflag:s13], $0x80  }
0x47: {  	[sflag:s13] =	ssyncset.done $0x0  }
0x48: {  	[sflag:s13] =	ssyncadd.s32 $0xFFFFFF80  }
0x49: {  	v6 =	vld [tilespmem:$0x0]  }
0x4a: {  	v7 =	vld [tilespmem:$0x10]  }
0x4b: {  	v8 =	vld [tilespmem:$0x20];
	_ =	sdelay $0x1  }
0x4c: {  	v9 =	vld [tilespmem:$0x30]  }
0x4d: {  	v10 =	vld [tilespmem:$0x40];
	vm1 =	vge.s32 v6, v0;
	vm2 =	vlt.s32 v6, v1  }
0x4e: {  	v11 =	vld [tilespmem:$0x50];
	vm3 =	vlt.s32 v7, v1;
	vm1 =	vmand vm1, vm2;
	vm2 =	vge.s32 v7, v0  }
0x4f: {  	vm4 =	vlt.s32 v8, v1;
	vm2 =	vmand vm2, vm3;
	vm3 =	vge.s32 v8, v0  }
0x50: {  	v12 =	vld [tilespmem:$0x60];
	v6 =	vsel vm1, v6, v2;
	v7 =	vsel vm2, v7, v2;
	vm1 =	vmand vm3, vm4  }
0x51: {  	v13 =	vld [tilespmem:$0x70];
	vm2 =	vlt.s32 v9, v1;
	v8 =	vsel vm1, v8, v2;
	vm1 =	vge.s32 v9, v0  }
0x52: {  	[tilespmem:$0x80] =	vst v6;
	vm3 =	vlt.s32 v10, v1;
	vm1 =	vmand vm1, vm2;
	vm2 =	vge.s32 v10, v0  }
0x53: {  	vm15 =	vlt.s32 v11, v1;
	[tilespmem:$0x90] =	vst v7;
	vm2 =	vmand vm2, vm3;
	vm3 =	vge.s32 v11, v0  }
0x54: {  	[tilespmem:$0xA0] =	vst v8;
	v6 =	vsel vm1, v9, v2;
	v7 =	vsel vm2, v10, v2;
	vm1 =	vmand vm3, vm15  }
0x55: {  	[tilespmem:$0xB0] =	vst v6;
	vm2 =	vlt.s32 v12, v1;
	v6 =	vsel vm1, v11, v2;
	vm1 =	vge.s32 v12, v0  }
0x56: {  	vm3 =	vlt.s32 v13, v1;
	[tilespmem:$0x100] =	vst v7;
	vm1 =	vmand vm1, vm2;
	vm2 =	vge.s32 v13, v0  }
0x57: {  	[tilespmem:$0x110] =	vst v6;
	v7 =	vsel vm1, v12, v2;
	vm1 =	vmand vm2, vm3  }
0x58: {  	[tilespmem:$0x120] =	vst v7;
	v6 =	vsel vm1, v13, v2  }
0x59: {  	[tilespmem:$0x130] =	vst v6  }
0x5a: {  	[tilespmem:s7], [sflag:$0x5] =	stream.linear.gather [hbm4b:s4+s2], $0x8000, $0x38;
	[tilespmem:$0x10180] =	vst v63  }
0x5b: {  	_ =	swait.ge [sflag:s13], $0x8000  }
0x5c: {  	[sflag:s13] =	ssyncset.done $0x0  }
0x5d: {  	s14 =	rddreg [dreg:$0xd];
	[sflag:s13] =	ssyncadd.s32 $0xFFFF8000  }
0x5e: {  	[tilespmem:s9], [sflag:$0x5] =	stream.linear.gather [hbm4b:s14+s2], $0x8000, $0x38;
	[tilespmem:$0x10180] =	vst v63  }
0x5f: {  	_ =	swait.ge [sflag:s13], $0x8000  }
0x60: {  	[sflag:s13] =	ssyncset.done $0x0  }
0x61: {  	[sflag:s13] =	ssyncadd.s32 $0xFFFF8000  }
0x62: {  	[bflag:$0x0] =	sbarrier.arrive $0xFFFF  }
0x63: {  	v6 =	vld [tilespmem:$0x80];
	_ =	sdelay $0x4  }
0x64: {  	v7 =	vshll.u32 v6, $0x2  }
0x65: {  	v6 =	vand.u32 $0x7, v6;
	v7 =	vand.u32 $0xFFFFFFE0, v7  }
0x66: {  	v6 =	vor.u32 v6, v7  }
0x67: {  	v7 =	vperm.xlane v6, v3;
	_ =	sdelay $0x1  }
0x68: {  	v7 =	vadd.s32 v4, v7;
	_ =	sdelay $0x1  }
0x69: {  	v6 =	vperm.xlane v6, v5;
	_ =	sdelay $0x1  }
0x6a: {  	v6 =	vadd.s32 v4, v6  }
0x6b: {  	[hbm4b:s3+s2] =	stream.indirect_vreg.scatter [tilespmem:s7], [sflag:$0x3], $0x80, v7, vm0, $0xb8;
	[tilespmem:$0x10180] =	vst v63  }
0x6c: {  	s1 =	rddreg [dreg:$0xe]  }
0x6d: {  	[hbm4b:s5+s2] =	stream.indirect_vreg.scatter [tilespmem:s1], [sflag:$0x3], $0x80, v7, vm0, $0xb8;
	[tilespmem:$0x10180] =	vst v63  }
0x6e: {  	s14 =	rddreg [dreg:$0xf]  }
0x6f: {  	[hbm4b:s3+s2] =	stream.indirect_vreg.scatter [tilespmem:s14], [sflag:$0x3], $0x80, v6, vm0, $0xb8;
	[tilespmem:$0x10180] =	vst v63  }
0x70: {  	s1 =	rddreg [dreg:$0x10]  }
0x71: {  	[hbm4b:s5+s2] =	stream.indirect_vreg.scatter [tilespmem:s1], [sflag:$0x3], $0x80, v6, vm0, $0xb8;
	[tilespmem:$0x10180] =	vst v63  }
0x72: {  	v6 =	vld [tilespmem:$0x90];
	_ =	sdelay $0x4  }
0x73: {  	v7 =	vshll.u32 v6, $0x2  }
0x74: {  	v6 =	vand.u32 $0x7, v6;
	v7 =	vand.u32 $0xFFFFFFE0, v7  }
0x75: {  	v6 =	vor.u32 v6, v7  }
0x76: {  	v7 =	vperm.xlane v6, v3;
	_ =	sdelay $0x1  }
0x77: {  	v7 =	vadd.s32 v4, v7;
	_ =	sdelay $0x1  }
0x78: {  	v6 =	vperm.xlane v6, v5;
	_ =	sdelay $0x1  }
0x79: {  	s1 =	rddreg [dreg:$0x11];
	v6 =	vadd.s32 v4, v6  }
0x7a: {  	[hbm4b:s3+s2] =	stream.indirect_vreg.scatter [tilespmem:s1], [sflag:$0x3], $0x80, v7, vm0, $0xb8;
	[tilespmem:$0x10180] =	vst v63  }
0x7b: {  	s14 =	rddreg [dreg:$0x12]  }
0x7c: {  	[hbm4b:s5+s2] =	stream.indirect_vreg.scatter [tilespmem:s14], [sflag:$0x3], $0x80, v7, vm0, $0xb8;
	[tilespmem:$0x10180] =	vst v63  }
0x7d: {  	s1 =	rddreg [dreg:$0x13]  }
0x7e: {  	[hbm4b:s3+s2] =	stream.indirect_vreg.scatter [tilespmem:s1], [sflag:$0x3], $0x80, v6, vm0, $0xb8;
	[tilespmem:$0x10180] =	vst v63  }
0x7f: {  	s14 =	rddreg [dreg:$0x14]  }
0x80: {  	[hbm4b:s5+s2] =	stream.indirect_vreg.scatter [tilespmem:s14], [sflag:$0x3], $0x80, v6, vm0, $0xb8;
	[tilespmem:$0x10180] =	vst v63  }
0x81: {  	v6 =	vld [tilespmem:$0xA0];
	_ =	sdelay $0x4  }
0x82: {  	v7 =	vshll.u32 v6, $0x2  }
0x83: {  	v6 =	vand.u32 $0x7, v6;
	v7 =	vand.u32 $0xFFFFFFE0, v7  }
0x84: {  	v6 =	vor.u32 v6, v7  }
0x85: {  	v7 =	vperm.xlane v6, v3;
	_ =	sdelay $0x1  }
0x86: {  	v7 =	vadd.s32 v4, v7;
	_ =	sdelay $0x1  }
0x87: {  	v6 =	vperm.xlane v6, v5;
	_ =	sdelay $0x1  }
0x88: {  	s1 =	rddreg [dreg:$0x15];
	v6 =	vadd.s32 v4, v6  }
0x89: {  	[hbm4b:s3+s2] =	stream.indirect_vreg.scatter [tilespmem:s1], [sflag:$0x3], $0x80, v7, vm0, $0xb8;
	[tilespmem:$0x10180] =	vst v63  }
0x8a: {  	s14 =	rddreg [dreg:$0x16]  }
0x8b: {  	[hbm4b:s5+s2] =	stream.indirect_vreg.scatter [tilespmem:s14], [sflag:$0x3], $0x80, v7, vm0, $0xb8;
	[tilespmem:$0x10180] =	vst v63  }
0x8c: {  	s1 =	rddreg [dreg:$0x17]  }
0x8d: {  	[hbm4b:s3+s2] =	stream.indirect_vreg.scatter [tilespmem:s1], [sflag:$0x3], $0x80, v6, vm0, $0xb8;
	[tilespmem:$0x10180] =	vst v63  }
0x8e: {  	s14 =	rddreg [dreg:$0x18]  }
0x8f: {  	[hbm4b:s5+s2] =	stream.indirect_vreg.scatter [tilespmem:s14], [sflag:$0x3], $0x80, v6, vm0, $0xb8;
	[tilespmem:$0x10180] =	vst v63  }
0x90: {  	v6 =	vld [tilespmem:$0xB0];
	_ =	sdelay $0x4  }
0x91: {  	v7 =	vshll.u32 v6, $0x2  }
0x92: {  	v6 =	vand.u32 $0x7, v6;
	v7 =	vand.u32 $0xFFFFFFE0, v7  }
0x93: {  	v6 =	vor.u32 v6, v7  }
0x94: {  	v7 =	vperm.xlane v6, v3;
	_ =	sdelay $0x1  }
0x95: {  	v7 =	vadd.s32 v4, v7;
	_ =	sdelay $0x1  }
0x96: {  	v6 =	vperm.xlane v6, v5;
	_ =	sdelay $0x1  }
0x97: {  	s14 =	rddreg [dreg:$0x19];
	v6 =	vadd.s32 v4, v6  }
0x98: {  	[hbm4b:s3+s2] =	stream.indirect_vreg.scatter [tilespmem:s14], [sflag:$0x3], $0x80, v7, vm0, $0xb8;
	[tilespmem:$0x10180] =	vst v63  }
0x99: {  	s14 =	simm.s32 $0x6980  }
0x9a: {  	[hbm4b:s5+s2] =	stream.indirect_vreg.scatter [tilespmem:s14], [sflag:$0x3], $0x80, v7, vm0, $0xb8;
	[tilespmem:$0x10180] =	vst v63  }
0x9b: {  	_ = 	snop  }
0x9c: {  	[hbm4b:s3+s2] =	stream.indirect_vreg.scatter [tilespmem:s15], [sflag:$0x3], $0x80, v6, vm0, $0xb8;
	[tilespmem:$0x10180] =	vst v63  }
0x9d: {  	_ = 	snop  }
0x9e: {  	[hbm4b:s5+s2] =	stream.indirect_vreg.scatter [tilespmem:s16], [sflag:$0x3], $0x80, v6, vm0, $0xb8;
	[tilespmem:$0x10180] =	vst v63  }
0x9f: {  	v6 =	vld [tilespmem:$0x100];
	_ =	sdelay $0x4  }
0xa0: {  	v7 =	vshll.u32 v6, $0x2  }
0xa1: {  	v6 =	vand.u32 $0x7, v6;
	v7 =	vand.u32 $0xFFFFFFE0, v7  }
0xa2: {  	v6 =	vor.u32 v6, v7  }
0xa3: {  	v7 =	vperm.xlane v6, v3;
	_ =	sdelay $0x1  }
0xa4: {  	v7 =	vadd.s32 v4, v7;
	_ =	sdelay $0x1  }
0xa5: {  	v6 =	vperm.xlane v6, v5;
	_ =	sdelay $0x1  }
0xa6: {  	v6 =	vadd.s32 v4, v6  }
0xa7: {  	[hbm4b:s3+s2] =	stream.indirect_vreg.scatter [tilespmem:s9], [sflag:$0x4], $0x80, v7, vm0, $0xb8;
	[tilespmem:$0x10180] =	vst v63  }
0xa8: {  	_ = 	snop  }
0xa9: {  	[hbm4b:s5+s2] =	stream.indirect_vreg.scatter [tilespmem:s17], [sflag:$0x4], $0x80, v7, vm0, $0xb8;
	[tilespmem:$0x10180] =	vst v63  }
0xaa: {  	_ = 	snop  }
0xab: {  	[hbm4b:s3+s2] =	stream.indirect_vreg.scatter [tilespmem:s18], [sflag:$0x4], $0x80, v6, vm0, $0xb8;
	[tilespmem:$0x10180] =	vst v63  }
0xac: {  	_ = 	snop  }
0xad: {  	[hbm4b:s5+s2] =	stream.indirect_vreg.scatter [tilespmem:s19], [sflag:$0x4], $0x80, v6, vm0, $0xb8;
	[tilespmem:$0x10180] =	vst v63  }
0xae: {  	v6 =	vld [tilespmem:$0x110];
	_ =	sdelay $0x4  }
0xaf: {  	v7 =	vshll.u32 v6, $0x2  }
0xb0: {  	v6 =	vand.u32 $0x7, v6;
	v7 =	vand.u32 $0xFFFFFFE0, v7  }
0xb1: {  	v6 =	vor.u32 v6, v7  }
0xb2: {  	v7 =	vperm.xlane v6, v3;
	_ =	sdelay $0x1  }
0xb3: {  	v7 =	vadd.s32 v4, v7;
	_ =	sdelay $0x1  }
0xb4: {  	v6 =	vperm.xlane v6, v5;
	_ =	sdelay $0x1  }
0xb5: {  	v6 =	vadd.s32 v4, v6  }
0xb6: {  	[hbm4b:s3+s2] =	stream.indirect_vreg.scatter [tilespmem:s20], [sflag:$0x4], $0x80, v7, vm0, $0xb8;
	[tilespmem:$0x10180] =	vst v63  }
0xb7: {  	_ = 	snop  }
0xb8: {  	[hbm4b:s5+s2] =	stream.indirect_vreg.scatter [tilespmem:s21], [sflag:$0x4], $0x80, v7, vm0, $0xb8;
	[tilespmem:$0x10180] =	vst v63  }
0xb9: {  	_ = 	snop  }
0xba: {  	[hbm4b:s3+s2] =	stream.indirect_vreg.scatter [tilespmem:s22], [sflag:$0x4], $0x80, v6, vm0, $0xb8;
	[tilespmem:$0x10180] =	vst v63  }
0xbb: {  	_ = 	snop  }
0xbc: {  	[hbm4b:s5+s2] =	stream.indirect_vreg.scatter [tilespmem:s23], [sflag:$0x4], $0x80, v6, vm0, $0xb8;
	[tilespmem:$0x10180] =	vst v63  }
0xbd: {  	v6 =	vld [tilespmem:$0x120];
	_ =	sdelay $0x4  }
0xbe: {  	v7 =	vshll.u32 v6, $0x2  }
0xbf: {  	v6 =	vand.u32 $0x7, v6;
	v7 =	vand.u32 $0xFFFFFFE0, v7  }
0xc0: {  	v6 =	vor.u32 v6, v7  }
0xc1: {  	v7 =	vperm.xlane v6, v3;
	_ =	sdelay $0x1  }
0xc2: {  	v7 =	vadd.s32 v4, v7;
	_ =	sdelay $0x1  }
0xc3: {  	v6 =	vperm.xlane v6, v5;
	_ =	sdelay $0x1  }
0xc4: {  	v6 =	vadd.s32 v4, v6  }
0xc5: {  	[hbm4b:s3+s2] =	stream.indirect_vreg.scatter [tilespmem:s24], [sflag:$0x4], $0x80, v7, vm0, $0xb8;
	[tilespmem:$0x10180] =	vst v63  }
0xc6: {  	_ = 	snop  }
0xc7: {  	[hbm4b:s5+s2] =	stream.indirect_vreg.scatter [tilespmem:s25], [sflag:$0x4], $0x80, v7, vm0, $0xb8;
	[tilespmem:$0x10180] =	vst v63  }
0xc8: {  	_ = 	snop  }
0xc9: {  	[hbm4b:s3+s2] =	stream.indirect_vreg.scatter [tilespmem:s26], [sflag:$0x4], $0x80, v6, vm0, $0xb8;
	[tilespmem:$0x10180] =	vst v63  }
0xca: {  	_ = 	snop  }
0xcb: {  	[hbm4b:s5+s2] =	stream.indirect_vreg.scatter [tilespmem:s28], [sflag:$0x4], $0x80, v6, vm0, $0xb8;
	[tilespmem:$0x10180] =	vst v63  }
0xcc: {  	v6 =	vld [tilespmem:$0x130];
	_ =	sdelay $0x4  }
0xcd: {  	v7 =	vshll.u32 v6, $0x2  }
0xce: {  	v6 =	vand.u32 $0x7, v6;
	v7 =	vand.u32 $0xFFFFFFE0, v7  }
0xcf: {  	v6 =	vor.u32 v6, v7  }
0xd0: {  	v7 =	vperm.xlane v6, v3;
	_ =	sdelay $0x1  }
0xd1: {  	v7 =	vadd.s32 v4, v7;
	_ =	sdelay $0x1  }
0xd2: {  	v6 =	vperm.xlane v6, v5;
	_ =	sdelay $0x1  }
0xd3: {  	v6 =	vadd.s32 v4, v6  }
0xd4: {  	[hbm4b:s3+s2] =	stream.indirect_vreg.scatter [tilespmem:s29], [sflag:$0x4], $0x80, v7, vm0, $0xb8;
	[tilespmem:$0x10180] =	vst v63  }
0xd5: {  	_ = 	snop  }
0xd6: {  	[hbm4b:s5+s2] =	stream.indirect_vreg.scatter [tilespmem:s30], [sflag:$0x4], $0x80, v7, vm0, $0xb8;
	[tilespmem:$0x10180] =	vst v63  }
0xd7: {  	_ = 	snop  }
0xd8: {  	[hbm4b:s3+s2] =	stream.indirect_vreg.scatter [tilespmem:s31], [sflag:$0x4], $0x80, v6, vm0, $0xb8;
	[tilespmem:$0x10180] =	vst v63  }
0xd9: {  	_ = 	snop  }
0xda: {  	[hbm4b:s5+s2] =	stream.indirect_vreg.scatter [tilespmem:s0], [sflag:$0x4], $0x80, v6, vm0, $0xb8;
	[tilespmem:$0x10180] =	vst v63  }
0xdb: {  	p0 =	sne.s32 s6, $0x1;
	_ =	swait.ge [sflag:s11], $0x8000  }
.Ltmp0:
0xdc: {  	[sflag:s11] =	ssyncset.done $0x0;
	(pc) =	sbr.rel @p0 .LBB2_1-.Ltmp0, $4  }
0xdd: {  	[sflag:s11] =	ssyncadd.s32 $0xFFFF8000  }
0xde: {  	_ =	swait.ge [sflag:s12], $0x8000  }
0xdf: {  	[sflag:s12] =	ssyncset.done $0x0  }
0xe0: {  	s6 =	sadd.s32 $0xFFFFFFFF, s6;
	[sflag:s12] =	ssyncadd.s32 $0xFFFF8000  }
0xe1: {  	_ =	sfence.sel $0x180000  }
0xe2: {  	[bflag:$0x0] =	sbarrier.arrive $0xFFFF  }
0xe3: {  	_ =	strace $0x90000047  }
0xe4: {  	s0 =	stileid.u32;
	[bflag:$0x2] =	sbarrier.arrive $0xFFFF  }
0xe5: {  	p0 =	sne.s32 s0, $0x0;
	s0 =	rddreg [dreg:$0x3]  }
0xe6: {  	s0 =	sadd.s32 @!p0 $0x100000, s0  }
0xe7: {  	[sflag:s0] =	ssyncadd.tile.s32 @!p0 $0x1;
	_ =	shalt  }
.Lfunc_end2:
_tile_overlayer_lowered:
.L_overlay_start_2:
0xe8: {  	(tag) =	ssettag $0x2  }
0xe9: {  	s0 =	rddreg [dreg:$0x0];
	s2 =	stileid.u32  }
0xea: {  	s1 =	rddreg [dreg:$0x1];
	p0 =	sne.s32 s2, $0x0  }
0xeb: {  	s3 =	rddreg [dreg:$0x2];
	[bflag:$0x3] =	sbarrier.arrive $0xFFFF;
	s2 =	simm.s32 @!p0 $0x1C05  }
0xec: {  	[timem:s3], [sflag:s2] =	dma.local @!p0 [hbm:s0], s1  }
0xed: {  	s0 =	simm.s32 @!p0 $0x5  }
0xee: {  	_ =	swait.ge @!p0 [sflag:s0], s1  }
0xef: {  	s1 =	ssub.s32 @!p0 $0x0, s1;
	[sflag:s0] =	ssyncset.done @!p0 $0x0  }
0xf0: {  	[sflag:s0] =	ssyncadd.s32 @!p0 s1  }
0xf1: {  	[bflag:$0x3] =	sbarrier.arrive $0xFFFF  }
0xf2: {  	_ =	shalt  }

</sc_bundles>
